<compile_context>
chip_gen: v7x
topology: tpu7x:2x2x1
jax: 0.10.2.dev20260603
libtpu: 0.0.44.dev20260713+nightly
codegen_flags: <defaults>
</compile_context>

<pallas_src>
import jax
import jax.numpy as jnp
from jax.experimental import pallas as pl

N_OBJ = 512
N_PAIR = 2048
DIM = 128
RES = 7
HW = RES * RES
HWP = 56
U_CH = 256
OBJ_CLS = 151
REL_CLS = 51

PAIR_BLK = 128


def _obj_emb_kernel(roi_ref, logit_ref, bbox_ref, w1r_ref, w1l_ref, w1b_ref,
                    b1_ref, w2_ref, b2_ref, out_ref):
    h = (jnp.dot(roi_ref[...], w1r_ref[...], preferred_element_type=jnp.float32)
         + jnp.dot(logit_ref[...], w1l_ref[...], preferred_element_type=jnp.float32)
         + jnp.dot(bbox_ref[...], w1b_ref[...], preferred_element_type=jnp.float32)
         + b1_ref[...])
    h = jax.nn.relu(h)
    out_ref[...] = jnp.dot(h, w2_ref[...], preferred_element_type=jnp.float32) + b2_ref[...]


def _rel_kernel(u_ref, pair_ref, bbox_ref, wc_ref,
                ws_ref, wo_ref, wb_ref, bs_ref, bo_ref, bb_ref,
                w1s_ref, w1o_ref, w1b_ref, b1_ref, w2_ref, b2_ref,
                out_ref):
    M = PAIR_BLK
    sidx = pair_ref[:, 0:1]
    oidx = pair_ref[:, 1:2]
    node_iota = jax.lax.broadcasted_iota(jnp.int32, (M, N_OBJ), 1)
    oh_s = (node_iota == sidx).astype(jnp.float32)
    oh_o = (node_iota == oidx).astype(jnp.float32)
    sb = jnp.dot(oh_s, bbox_ref[...], preferred_element_type=jnp.float32)
    ob = jnp.dot(oh_o, bbox_ref[...], preferred_element_type=jnp.float32)

    ux0 = jnp.minimum(sb[:, 0:1], ob[:, 0:1])
    uy0 = jnp.minimum(sb[:, 1:2], ob[:, 1:2])
    x0s = sb[:, 0:1] - ux0
    x1s = sb[:, 2:3] - ux0
    x0o = ob[:, 0:1] - ux0
    x1o = ob[:, 2:3] - ux0
    y0s = sb[:, 1:2] - uy0
    y1s = sb[:, 3:4] - uy0
    y0o = ob[:, 1:2] - uy0
    y1o = ob[:, 3:4] - uy0
    xr = RES / jnp.maximum(x1s, x1o)
    yr = RES / jnp.maximum(y1s, y1o)

    def r2i(v, r):
        return jnp.round(v * r).astype(jnp.int32)

    xp0s, xp1s = r2i(x0s, xr), r2i(x1s, xr)
    xp0o, xp1o = r2i(x0o, xr), r2i(x1o, xr)
    yp0s, yp1s = r2i(y0s, yr), r2i(y1s, yr)
    yp0o, yp1o = r2i(y0o, yr), r2i(y1o, yr)

    hwi = jax.lax.broadcasted_iota(jnp.int32, (M, HWP), 1)
    rr = hwi // RES
    cc = hwi % RES
    smask = ((rr >= xp0s) & (rr < xp1s) & (cc >= yp0s) & (cc < yp1s)).astype(jnp.float32)
    omask = ((rr >= xp0o) & (rr < xp1o) & (cc >= yp0o) & (cc < yp1o)).astype(jnp.float32)
    bmask = jnp.maximum(1.0 - smask - omask, 0.0) * (hwi < HW).astype(jnp.float32)

    uf = jnp.dot(u_ref[...], wc_ref[...], preferred_element_type=jnp.float32)
    uf3 = uf.reshape(M, HWP, DIM)

    def emb(mask, w_ref, bias_ref):
        y = (uf3 * mask[:, :, None]).reshape(M, HWP * DIM)
        out = jnp.dot(y, w_ref[...], preferred_element_type=jnp.float32)
        out = out + jnp.dot(mask, bias_ref[...], preferred_element_type=jnp.float32)
        return out

    sbj = emb(smask, ws_ref, bs_ref)
    obj = emb(omask, wo_ref, bo_ref)
    bgv = emb(bmask, wb_ref, bb_ref)

    h = jax.nn.relu(
        jnp.dot(sbj, w1s_ref[...], preferred_element_type=jnp.float32)
        + jnp.dot(obj, w1o_ref[...], preferred_element_type=jnp.float32)
        + jnp.dot(bgv, w1b_ref[...], preferred_element_type=jnp.float32)
        + b1_ref[...])
    out_ref[...] = jax.nn.relu(
        jnp.dot(h, w2_ref[...], preferred_element_type=jnp.float32) + b2_ref[...])


def _gcn_kernel(fn_ref, fe_ref, pair_ref, pairt_ref, wg_ref, bg_ref,
                wop_ref, bop_ref, wrp_ref, brp_ref, obj_out_ref, rel_out_ref):
    n, m = N_OBJ, N_PAIR
    s_row = pairt_ref[0:1, :]
    o_row = pairt_ref[1:2, :]
    s_col = pair_ref[:, 0:1]
    o_col = pair_ref[:, 1:2]

    iota_nm = jax.lax.broadcasted_iota(jnp.int32, (n, m), 0)
    Sf = (iota_nm == s_row).astype(jnp.float32)
    Of = (iota_nm == o_row).astype(jnp.float32)
    n2e = jnp.minimum(Sf + Of, 1.0)

    iota_mn = jax.lax.broadcasted_iota(jnp.int32, (m, n), 1)
    Sc = (iota_mn == s_col).astype(jnp.float32)
    Oc = (iota_mn == o_col).astype(jnp.float32)
    e2n = jnp.minimum(Sc + Oc, 1.0)

    n2n = jnp.minimum(
        jnp.dot(Sf, Oc, preferred_element_type=jnp.float32), 1.0)

    fn = fn_ref[...]
    fe = fe_ref[...]
    for l in range(4):
        W = wg_ref[l]
        b = bg_ref[l:l + 1, :]
        gn = jnp.dot(fn, W, preferred_element_type=jnp.float32)
        ge = jnp.dot(fe, W, preferred_element_type=jnp.float32)
        topn = (jnp.dot(n2n, gn, preferred_element_type=jnp.float32)
                + jnp.dot(n2e, ge, preferred_element_type=jnp.float32)
                + gn + b)
        bote = jnp.dot(e2n, gn, preferred_element_type=jnp.float32) + ge + b
        fn = fn + jax.nn.relu(topn)
        fe = fe + jax.nn.relu(bote)

    obj_out_ref[...] = jnp.dot(fn, wop_ref[...], preferred_element_type=jnp.float32) + bop_ref[...]
    rel_out_ref[...] = jnp.dot(fe, wrp_ref[...], preferred_element_type=jnp.float32) + brp_ref[...]


def kernel(roi_features, predict_logits, bboxes, union_features, params, rel_pair_idxs):
    n = roi_features.shape[0]
    m = rel_pair_idxs.shape[0]
    f32 = jnp.float32

    W1, b1 = params["obj_emb1"]
    W1r = W1[:4096]
    W1l = W1[4096:4096 + OBJ_CLS]
    W1b = W1[4096 + OBJ_CLS:]
    W2, b2 = params["obj_emb2"]

    Wc, bc = params["reduce_conv"]

    def prep_emb(p):
        W, b = p
        Wr = W.reshape(DIM, HW, DIM).transpose(1, 0, 2)
        Wp = jnp.pad(Wr, ((0, HWP - HW), (0, 0), (0, 0))).reshape(HWP * DIM, DIM)
        Bias = jnp.einsum("d,hdo->ho", bc, Wr)
        Bp = jnp.pad(Bias, ((0, HWP - HW), (0, 0)))
        return Wp, Bp, b

    Ws, Bs, bs = prep_emb(params["sbj_emb"])
    Wo, Bo, bo = prep_emb(params["obj_emb"])
    Wb, Bb, bb = prep_emb(params["bg_emb"])

    Wc1, bc1 = params["comp1"]
    W1s, W1o, W1bg = Wc1[:DIM], Wc1[DIM:2 * DIM], Wc1[2 * DIM:]
    b1_eff = bs @ W1s + bo @ W1o + bb @ W1bg + bc1
    Wc2, bc2 = params["comp2"]

    Wg = jnp.stack([w for w, _ in params["gcn"]])
    Bg = jnp.stack([b for _, b in params["gcn"]])
    Wop, bop = params["obj_pred"]
    Wrp, brp = params["rel_pred"]

    U = union_features.reshape(m, U_CH, HW).astype(jnp.bfloat16).swapaxes(1, 2)
    U = jnp.pad(U, ((0, 0), (0, HWP - HW), (0, 0))).reshape(m * HWP, U_CH)
    pair = rel_pair_idxs.astype(jnp.int32)
    pair_t = pair.T

    row = lambda v: v.reshape(1, -1)

    obj_feats = pl.pallas_call(
        _obj_emb_kernel,
        out_shape=jax.ShapeDtypeStruct((n, DIM), f32),
    )(roi_features, predict_logits, bboxes, W1r, W1l, W1b, row(b1), W2, row(b2))

    G = m // PAIR_BLK
    rel_feats = pl.pallas_call(
        _rel_kernel,
        grid=(G,),
        in_specs=[
            pl.BlockSpec((PAIR_BLK * HWP, U_CH), lambda i: (i, 0)),
            pl.BlockSpec((PAIR_BLK, 2), lambda i: (i, 0)),
            pl.BlockSpec((n, 4), lambda i: (0, 0)),
            pl.BlockSpec((U_CH, DIM), lambda i: (0, 0)),
            pl.BlockSpec((HWP * DIM, DIM), lambda i: (0, 0)),
            pl.BlockSpec((HWP * DIM, DIM), lambda i: (0, 0)),
            pl.BlockSpec((HWP * DIM, DIM), lambda i: (0, 0)),
            pl.BlockSpec((HWP, DIM), lambda i: (0, 0)),
            pl.BlockSpec((HWP, DIM), lambda i: (0, 0)),
            pl.BlockSpec((HWP, DIM), lambda i: (0, 0)),
            pl.BlockSpec((DIM, DIM), lambda i: (0, 0)),
            pl.BlockSpec((DIM, DIM), lambda i: (0, 0)),
            pl.BlockSpec((DIM, DIM), lambda i: (0, 0)),
            pl.BlockSpec((1, DIM), lambda i: (0, 0)),
            pl.BlockSpec((DIM, DIM), lambda i: (0, 0)),
            pl.BlockSpec((1, DIM), lambda i: (0, 0)),
        ],
        out_specs=pl.BlockSpec((PAIR_BLK, DIM), lambda i: (i, 0)),
        out_shape=jax.ShapeDtypeStruct((m, DIM), f32),
    )(U, pair, bboxes, Wc.astype(jnp.bfloat16), Ws, Wo, Wb, Bs, Bo, Bb,
      W1s, W1o, W1bg, row(b1_eff), Wc2, row(bc2))

    obj_out, rel_out = pl.pallas_call(
        _gcn_kernel,
        out_shape=(jax.ShapeDtypeStruct((n, OBJ_CLS), f32),
                   jax.ShapeDtypeStruct((m, REL_CLS), f32)),
    )(obj_feats, rel_feats, pair, pair_t, Wg, Bg,
      Wop, row(bop), Wrp, row(brp))

    return obj_out, rel_out

# --- scband reference (transcript-rebuilt; emitter-appended) ---
"""Pipeline reference for scband-csinet-10642928959994 (READ-ONLY COPY).

The authoritative reference and input builder live on the scoring server;
editing this copy changes nothing except your own understanding.
"""

import jax, jax.numpy as jnp
import numpy as np

N_OBJ = 512
N_PAIR = 2048
DIM = 128
RES = 7
ROI_DIM = 4096
OBJ_CLS = 151
REL_CLS = 51
U_CH = 256
FLAT = DIM * RES * RES


def _lin(key, fan_in, fan_out):
    k1, k2 = jax.random.split(key)
    s = 1.0 / np.sqrt(fan_in)
    W = jax.random.uniform(k1, (fan_in, fan_out), jnp.float32, -s, s)
    b = jax.random.uniform(k2, (fan_out,), jnp.float32, -s, s)
    return (W, b)


def setup_inputs(seed: int = 0):
    key = jax.random.key(seed)
    ks = jax.random.split(key, 24)
    roi_features = jax.random.normal(ks[0], (N_OBJ, ROI_DIM), jnp.float32)
    predict_logits = jax.random.normal(ks[1], (N_OBJ, OBJ_CLS), jnp.float32)
    cx = jax.random.uniform(ks[2], (N_OBJ,), jnp.float32, 100.0, 700.0)
    cy = jax.random.uniform(ks[3], (N_OBJ,), jnp.float32, 100.0, 500.0)
    bw = jax.random.uniform(ks[4], (N_OBJ,), jnp.float32, 20.0, 200.0)
    bh = jax.random.uniform(ks[5], (N_OBJ,), jnp.float32, 20.0, 200.0)
    bboxes = jnp.stack([cx - bw / 2, cy - bh / 2, cx + bw / 2, cy + bh / 2], axis=1)
    union_features = jax.random.normal(ks[6], (N_PAIR, U_CH, RES, RES), jnp.float32)
    rel_pair_idxs = jax.random.randint(ks[7], (N_PAIR, 2), 0, N_OBJ)
    params = {
        "obj_emb1": _lin(ks[8], ROI_DIM + OBJ_CLS + 4, DIM),
        "obj_emb2": _lin(ks[9], DIM, DIM),
        "reduce_conv": _lin(ks[10], U_CH, DIM),
        "sbj_emb": _lin(ks[11], FLAT, DIM),
        "obj_emb": _lin(ks[12], FLAT, DIM),
        "bg_emb": _lin(ks[13], FLAT, DIM),
        "comp1": _lin(ks[14], 3 * DIM, DIM),
        "comp2": _lin(ks[15], DIM, DIM),
        "gcn": [_lin(ks[16 + i], DIM, DIM) for i in range(4)],
        "obj_pred": _lin(ks[20], DIM, OBJ_CLS),
        "rel_pred": _lin(ks[21], DIM, REL_CLS),
    }
    return {"roi_features": roi_features, "predict_logits": predict_logits, "bboxes": bboxes,
            "union_features": union_features, "params": params, "rel_pair_idxs": rel_pair_idxs}


def _forward(roi_features, predict_logits, bboxes, union_features, params, rel_pair_idxs):
    n = roi_features.shape[0]
    m = rel_pair_idxs.shape[0]
    # object embedding (sgcls mode: predicted logits)
    obj_in = jnp.concatenate([roi_features, predict_logits, bboxes], axis=1)
    W, b = params["obj_emb1"]
    h = jax.nn.relu(obj_in @ W + b)
    W, b = params["obj_emb2"]
    obj_feats = h @ W + b
    # 1x1 conv reduce: 256 -> 128 channels
    Wc, bc = params["reduce_conv"]
    uf = jnp.einsum("mchw,cd->mdhw", union_features, Wc) + bc[None, :, None, None]
    # _masking: subject / object / background spatial masks on the 7x7 union map
    pair = rel_pair_idxs
    sbj_boxes = bboxes[pair[:, 0]]
    obj_boxes = bboxes[pair[:, 1]]
    pair_boxes = jnp.concatenate([sbj_boxes, obj_boxes], axis=1)
    union_boxes = jnp.concatenate([jnp.minimum(sbj_boxes[:, :2], obj_boxes[:, :2]),
                                   jnp.maximum(sbj_boxes[:, 2:], obj_boxes[:, 2:])], axis=1)
    x = pair_boxes[:, jnp.array([0, 2, 4, 6])] - union_boxes[:, 0:1]
    y = pair_boxes[:, jnp.array([1, 3, 5, 7])] - union_boxes[:, 1:2]
    xr = RES / jnp.maximum(x[:, 1], x[:, 3])
    yr = RES / jnp.maximum(y[:, 1], y[:, 3])
    xp = jnp.round(x * xr[:, None]).astype(jnp.int32)
    yp = jnp.round(y * yr[:, None]).astype(jnp.int32)
    rr = jnp.arange(RES)[None, :, None]
    cc = jnp.arange(RES)[None, None, :]
    def box_mask(x0, x1, y0, y1):
        return ((rr >= x0[:, None, None]) & (rr < x1[:, None, None]) &
                (cc >= y0[:, None, None]) & (cc < y1[:, None, None])).astype(jnp.float32)
    sbj_mask = box_mask(xp[:, 0], xp[:, 1], yp[:, 0], yp[:, 1])
    obj_mask = box_mask(xp[:, 2], xp[:, 3], yp[:, 2], yp[:, 3])
    bg_mask = jnp.maximum(1.0 - sbj_mask - obj_mask, 0.0)
    sbj = (uf * sbj_mask[:, None]).reshape(m, -1)
    obj = (uf * obj_mask[:, None]).reshape(m, -1)
    bg = (uf * bg_mask[:, None]).reshape(m, -1)
    W, b = params["sbj_emb"]; sbj = sbj @ W + b
    W, b = params["obj_emb"]; obj = obj @ W + b
    W, b = params["bg_emb"]; bg = bg @ W + b
    # RelationalEmbedding compose
    rel_in = jnp.concatenate([sbj, obj, bg], axis=1)
    W, b = params["comp1"]; h = jax.nn.relu(rel_in @ W + b)
    W, b = params["comp2"]; rel_feats = jax.nn.relu(h @ W + b)
    # _adjacency (edge2edge=False): dense (n+m)x(n+m) graph, scatter-built
    n2n = jnp.zeros((n, n), jnp.float32).at[pair[:, 0], pair[:, 1]].set(1.0)
    ar = jnp.arange(m)
    n2e = jnp.zeros((n, m), jnp.float32).at[pair[:, 0], ar].set(1.0).at[pair[:, 1], ar].set(1.0)
    e2e = jnp.zeros((m, m), jnp.float32)
    adj = jnp.concatenate([jnp.concatenate([n2n, n2e], axis=1),
                           jnp.concatenate([n2e.T, e2e], axis=1)], axis=0)
    adj = adj + jnp.eye(n + m, dtype=jnp.float32)
    # 4-layer residual GCN over joint node+edge graph (dropout inactive at inference)
    feats = jnp.concatenate([obj_feats, rel_feats], axis=0)
    for Wg, bg_l in params["gcn"]:
        feats = feats + jax.nn.relu(adj @ (feats @ Wg) + bg_l)
    W, b = params["obj_pred"]; obj_out = feats[:n] @ W + b
    W, b = params["rel_pred"]; rel_out = feats[n:] @ W + b
    return obj_out, rel_out


def reference(roi_features, predict_logits, bboxes, union_features, params, rel_pair_idxs):
    return _forward(roi_features, predict_logits, bboxes, union_features, params, rel_pair_idxs)

if __name__ == "__main__":
    import jax
    _d = setup_inputs()
    print(jax.jit(kernel)(*tuple(_d.values())))

</pallas_src>

<mosaic_0001>
module attributes {stable_mosaic.version = 14 : i64} {
  func.func @_obj_emb_kernel(%arg0: memref<512x4096xf32, #tpu.memory_space<vmem>>, %arg1: memref<512x151xf32, #tpu.memory_space<vmem>>, %arg2: memref<512x4xf32, #tpu.memory_space<vmem>>, %arg3: memref<4096x128xf32, #tpu.memory_space<vmem>>, %arg4: memref<151x128xf32, #tpu.memory_space<vmem>>, %arg5: memref<4x128xf32, #tpu.memory_space<vmem>>, %arg6: memref<1x128xf32, #tpu.memory_space<vmem>>, %arg7: memref<128x128xf32, #tpu.memory_space<vmem>>, %arg8: memref<1x128xf32, #tpu.memory_space<vmem>>, %arg9: memref<512x128xf32, #tpu.memory_space<vmem>>) attributes {dimension_semantics = [], scalar_prefetch = 0 : i64, scratch_operands = 0 : i64, tpu.core_type = #tpu.core_type<tc>} {
    %get3A = arith.constant 0 : index
    %get3A_0 = arith.constant 0 : index
    %get3A_1 = vector.load %arg0[%get3A, %get3A_0] : memref<512x4096xf32, #tpu.memory_space<vmem>>, vector<512x4096xf32>
    %get3A_2 = arith.constant 0 : index
    %get3A_3 = arith.constant 0 : index
    %get3A_4 = vector.load %arg3[%get3A_2, %get3A_3] : memref<4096x128xf32, #tpu.memory_space<vmem>>, vector<4096x128xf32>
    %dot_general3A = arith.constant dense<0.000000e+00> : vector<512x128xf32>
    %dot_general3A_5 = tpu.matmul %get3A_1, %get3A_4, %dot_general3A {dimension_numbers = #tpu.dot_dimension_numbers<[1], [0], [0], [1], [0, 0, 1, 1], [], []>, transpose_lhs_hint = false} : vector<512x4096xf32>, vector<4096x128xf32>, vector<512x128xf32> -> vector<512x128xf32>
    %get3A_6 = arith.constant 0 : index
    %get3A_7 = arith.constant 0 : index
    %get3A_8 = vector.load %arg1[%get3A_6, %get3A_7] : memref<512x151xf32, #tpu.memory_space<vmem>>, vector<512x151xf32>
    %get3A_9 = arith.constant 0 : index
    %get3A_10 = arith.constant 0 : index
    %get3A_11 = vector.load %arg4[%get3A_9, %get3A_10] : memref<151x128xf32, #tpu.memory_space<vmem>>, vector<151x128xf32>
    %dot_general3A_12 = arith.constant dense<0.000000e+00> : vector<512x128xf32>
    %dot_general3A_13 = tpu.matmul %get3A_8, %get3A_11, %dot_general3A_12 {dimension_numbers = #tpu.dot_dimension_numbers<[1], [0], [0], [1], [0, 0, 1, 1], [], []>, transpose_lhs_hint = false} : vector<512x151xf32>, vector<151x128xf32>, vector<512x128xf32> -> vector<512x128xf32>
    %add3A = arith.addf %dot_general3A_5, %dot_general3A_13 : vector<512x128xf32>
    %get3A_14 = arith.constant 0 : index
    %get3A_15 = arith.constant 0 : index
    %get3A_16 = vector.load %arg2[%get3A_14, %get3A_15] : memref<512x4xf32, #tpu.memory_space<vmem>>, vector<512x4xf32>
    %get3A_17 = arith.constant 0 : index
    %get3A_18 = arith.constant 0 : index
    %get3A_19 = vector.load %arg5[%get3A_17, %get3A_18] : memref<4x128xf32, #tpu.memory_space<vmem>>, vector<4x128xf32>
    %dot_general3A_20 = arith.constant dense<0.000000e+00> : vector<512x128xf32>
    %dot_general3A_21 = tpu.matmul %get3A_16, %get3A_19, %dot_general3A_20 {dimension_numbers = #tpu.dot_dimension_numbers<[1], [0], [0], [1], [0, 0, 1, 1], [], []>, transpose_lhs_hint = false} : vector<512x4xf32>, vector<4x128xf32>, vector<512x128xf32> -> vector<512x128xf32>
    %add3A_22 = arith.addf %add3A, %dot_general3A_21 : vector<512x128xf32>
    %get3A_23 = arith.constant 0 : index
    %get3A_24 = arith.constant 0 : index
    %get3A_25 = vector.load %arg6[%get3A_23, %get3A_24] : memref<1x128xf32, #tpu.memory_space<vmem>>, vector<1x128xf32>
    %add3A_26 = vector.broadcast %get3A_25 : vector<1x128xf32> to vector<512x128xf32>
    %add3A_27 = arith.addf %add3A_22, %add3A_26 : vector<512x128xf32>
    %max3A = arith.constant 0.000000e+00 : f32
    %max3A_28 = vector.broadcast %max3A : f32 to vector<512x128xf32>
    %max3A_29 = arith.maximumf %add3A_27, %max3A_28 : vector<512x128xf32>
    %get3A_30 = arith.constant 0 : index
    %get3A_31 = arith.constant 0 : index
    %get3A_32 = vector.load %arg7[%get3A_30, %get3A_31] : memref<128x128xf32, #tpu.memory_space<vmem>>, vector<128x128xf32>
    %dot_general3A_33 = arith.constant dense<0.000000e+00> : vector<512x128xf32>
    %dot_general3A_34 = tpu.matmul %max3A_29, %get3A_32, %dot_general3A_33 {dimension_numbers = #tpu.dot_dimension_numbers<[1], [0], [0], [1], [0, 0, 1, 1], [], []>, transpose_lhs_hint = false} : vector<512x128xf32>, vector<128x128xf32>, vector<512x128xf32> -> vector<512x128xf32>
    %get3A_35 = arith.constant 0 : index
    %get3A_36 = arith.constant 0 : index
    %get3A_37 = vector.load %arg8[%get3A_35, %get3A_36] : memref<1x128xf32, #tpu.memory_space<vmem>>, vector<1x128xf32>
    %add3A_38 = vector.broadcast %get3A_37 : vector<1x128xf32> to vector<512x128xf32>
    %add3A_39 = arith.addf %dot_general3A_34, %add3A_38 : vector<512x128xf32>
    %swap3A = arith.constant 0 : index
    %swap3A_40 = arith.constant 0 : index
    %swap3A_41 = vector.load %arg9[%swap3A, %swap3A_40] : memref<512x128xf32, #tpu.memory_space<vmem>>, vector<512x128xf32>
    tpu.vector_store %arg9[%swap3A, %swap3A_40], %add3A_39 {strides = array<i32>} : memref<512x128xf32, #tpu.memory_space<vmem>>, vector<512x128xf32>,
    return
  }
}

module attributes {stable_mosaic.version = 14 : i64} {
  func.func @_rel_kernel(%arg0: i32, %arg1: memref<7168x256xbf16, #tpu.memory_space<vmem>>, %arg2: memref<128x2xi32, #tpu.memory_space<vmem>>, %arg3: memref<512x4xf32, #tpu.memory_space<vmem>>, %arg4: memref<256x128xbf16, #tpu.memory_space<vmem>>, %arg5: memref<7168x128xf32, #tpu.memory_space<vmem>>, %arg6: memref<7168x128xf32, #tpu.memory_space<vmem>>, %arg7: memref<7168x128xf32, #tpu.memory_space<vmem>>, %arg8: memref<56x128xf32, #tpu.memory_space<vmem>>, %arg9: memref<56x128xf32, #tpu.memory_space<vmem>>, %arg10: memref<56x128xf32, #tpu.memory_space<vmem>>, %arg11: memref<128x128xf32, #tpu.memory_space<vmem>>, %arg12: memref<128x128xf32, #tpu.memory_space<vmem>>, %arg13: memref<128x128xf32, #tpu.memory_space<vmem>>, %arg14: memref<1x128xf32, #tpu.memory_space<vmem>>, %arg15: memref<128x128xf32, #tpu.memory_space<vmem>>, %arg16: memref<1x128xf32, #tpu.memory_space<vmem>>, %arg17: memref<128x128xf32, #tpu.memory_space<vmem>>) attributes {dimension_semantics = [#tpu.dimension_semantics<arbitrary>], iteration_bounds = array<i64: 16>, scalar_prefetch = 0 : i64, scratch_operands = 0 : i64, tpu.core_type = #tpu.core_type<tc>, window_params = [{transform_indices = @transform_0, window_bounds = array<i64: 7168, 256>}, {transform_indices = @transform_1, window_bounds = array<i64: 128, 2>}, {pipeline_mode = #tpu.pipeline_mode<synchronous>, transform_indices = @transform_2, window_bounds = array<i64: 512, 4>}, {pipeline_mode = #tpu.pipeline_mode<synchronous>, transform_indices = @transform_3, window_bounds = array<i64: 256, 128>}, {pipeline_mode = #tpu.pipeline_mode<synchronous>, transform_indices = @transform_4, window_bounds = array<i64: 7168, 128>}, {pipeline_mode = #tpu.pipeline_mode<synchronous>, transform_indices = @transform_5, window_bounds = array<i64: 7168, 128>}, {pipeline_mode = #tpu.pipeline_mode<synchronous>, transform_indices = @transform_6, window_bounds = array<i64: 7168, 128>}, {pipeline_mode = #tpu.pipeline_mode<synchronous>, transform_indices = @transform_7, window_bounds = array<i64: 56, 128>}, {pipeline_mode = #tpu.pipeline_mode<synchronous>, transform_indices = @transform_8, window_bounds = array<i64: 56, 128>}, {pipeline_mode = #tpu.pipeline_mode<synchronous>, transform_indices = @transform_9, window_bounds = array<i64: 56, 128>}, {pipeline_mode = #tpu.pipeline_mode<synchronous>, transform_indices = @transform_10, window_bounds = array<i64: 128, 128>}, {pipeline_mode = #tpu.pipeline_mode<synchronous>, transform_indices = @transform_11, window_bounds = array<i64: 128, 128>}, {pipeline_mode = #tpu.pipeline_mode<synchronous>, transform_indices = @transform_12, window_bounds = array<i64: 128, 128>}, {pipeline_mode = #tpu.pipeline_mode<synchronous>, transform_indices = @transform_13, window_bounds = array<i64: 1, 128>}, {pipeline_mode = #tpu.pipeline_mode<synchronous>, transform_indices = @transform_14, window_bounds = array<i64: 128, 128>}, {pipeline_mode = #tpu.pipeline_mode<synchronous>, transform_indices = @transform_15, window_bounds = array<i64: 1, 128>}, {transform_indices = @transform_16, window_bounds = array<i64: 128, 128>}]} {
    %get3A = arith.constant 0 : index
    %get3A_0 = arith.constant 0 : index
    %get3A_1 = vector.load %arg2[%get3A, %get3A_0] : memref<128x2xi32, #tpu.memory_space<vmem>>, vector<128x1xi32>
    %get3A_2 = arith.constant 0 : index
    %get3A_3 = arith.constant 1 : index
    %get3A_4 = vector.load %arg2[%get3A_2, %get3A_3] : memref<128x2xi32, #tpu.memory_space<vmem>>, vector<128x1xi32>
    %iota3A = tpu.iota {dimensions = array<i32: 1>} : vector<128x512xi32>
    %eq3A = vector.broadcast %get3A_1 : vector<128x1xi32> to vector<128x512xi32>
    %eq3A_5 = arith.cmpi eq, %iota3A, %eq3A : vector<128x512xi32>
    %convert_element_type3A = arith.extui %eq3A_5 : vector<128x512xi1> to vector<128x512xi32>
    %convert_element_type3A_6 = arith.sitofp %convert_element_type3A : vector<128x512xi32> to vector<128x512xf32>
    %eq3A_7 = vector.broadcast %get3A_4 : vector<128x1xi32> to vector<128x512xi32>
    %eq3A_8 = arith.cmpi eq, %iota3A, %eq3A_7 : vector<128x512xi32>
    %convert_element_type3A_9 = arith.extui %eq3A_8 : vector<128x512xi1> to vector<128x512xi32>
    %convert_element_type3A_10 = arith.sitofp %convert_element_type3A_9 : vector<128x512xi32> to vector<128x512xf32>
    %get3A_11 = arith.constant 0 : index
    %get3A_12 = arith.constant 0 : index
    %get3A_13 = vector.load %arg3[%get3A_11, %get3A_12] : memref<512x4xf32, #tpu.memory_space<vmem>>, vector<512x4xf32>
    %dot_general3A = arith.constant dense<0.000000e+00> : vector<128x4xf32>
    %dot_general3A_14 = tpu.matmul %convert_element_type3A_6, %get3A_13, %dot_general3A {dimension_numbers = #tpu.dot_dimension_numbers<[1], [0], [0], [1], [0, 0, 1, 1], [], []>, transpose_lhs_hint = false} : vector<128x512xf32>, vector<512x4xf32>, vector<128x4xf32> -> vector<128x4xf32>
    %get3A_15 = arith.constant 0 : index
    %get3A_16 = arith.constant 0 : index
    %get3A_17 = vector.load %arg3[%get3A_15, %get3A_16] : memref<512x4xf32, #tpu.memory_space<vmem>>, vector<512x4xf32>
    %dot_general3A_18 = arith.constant dense<0.000000e+00> : vector<128x4xf32>
    %dot_general3A_19 = tpu.matmul %convert_element_type3A_10, %get3A_17, %dot_general3A_18 {dimension_numbers = #tpu.dot_dimension_numbers<[1], [0], [0], [1], [0, 0, 1, 1], [], []>, transpose_lhs_hint = false} : vector<128x512xf32>, vector<512x4xf32>, vector<128x4xf32> -> vector<128x4xf32>
    %slice3A = vector.extract_strided_slice %dot_general3A_14 {offsets = [0, 0], sizes = [128, 1], strides = [1, 1]} : vector<128x4xf32> to vector<128x1xf32>
    %slice3A_20 = vector.extract_strided_slice %dot_general3A_19 {offsets = [0, 0], sizes = [128, 1], strides = [1, 1]} : vector<128x4xf32> to vector<128x1xf32>
    %min3A = arith.minimumf %slice3A, %slice3A_20 : vector<128x1xf32>
    %slice3A_21 = vector.extract_strided_slice %dot_general3A_14 {offsets = [0, 1], sizes = [128, 1], strides = [1, 1]} : vector<128x4xf32> to vector<128x1xf32>
    %slice3A_22 = vector.extract_strided_slice %dot_general3A_19 {offsets = [0, 1], sizes = [128, 1], strides = [1, 1]} : vector<128x4xf32> to vector<128x1xf32>
    %min3A_23 = arith.minimumf %slice3A_21, %slice3A_22 : vector<128x1xf32>
    %slice3A_24 = vector.extract_strided_slice %dot_general3A_14 {offsets = [0, 0], sizes = [128, 1], strides = [1, 1]} : vector<128x4xf32> to vector<128x1xf32>
    %sub3A = arith.subf %slice3A_24, %min3A : vector<128x1xf32>
    %slice3A_25 = vector.extract_strided_slice %dot_general3A_14 {offsets = [0, 2], sizes = [128, 1], strides = [1, 1]} : vector<128x4xf32> to vector<128x1xf32>
    %sub3A_26 = arith.subf %slice3A_25, %min3A : vector<128x1xf32>
    %slice3A_27 = vector.extract_strided_slice %dot_general3A_19 {offsets = [0, 0], sizes = [128, 1], strides = [1, 1]} : vector<128x4xf32> to vector<128x1xf32>
    %sub3A_28 = arith.subf %slice3A_27, %min3A : vector<128x1xf32>
    %slice3A_29 = vector.extract_strided_slice %dot_general3A_19 {offsets = [0, 2], sizes = [128, 1], strides = [1, 1]} : vector<128x4xf32> to vector<128x1xf32>
    %sub3A_30 = arith.subf %slice3A_29, %min3A : vector<128x1xf32>
    %slice3A_31 = vector.extract_strided_slice %dot_general3A_14 {offsets = [0, 1], sizes = [128, 1], strides = [1, 1]} : vector<128x4xf32> to vector<128x1xf32>
    %sub3A_32 = arith.subf %slice3A_31, %min3A_23 : vector<128x1xf32>
    %slice3A_33 = vector.extract_strided_slice %dot_general3A_14 {offsets = [0, 3], sizes = [128, 1], strides = [1, 1]} : vector<128x4xf32> to vector<128x1xf32>
    %sub3A_34 = arith.subf %slice3A_33, %min3A_23 : vector<128x1xf32>
    %slice3A_35 = vector.extract_strided_slice %dot_general3A_19 {offsets = [0, 1], sizes = [128, 1], strides = [1, 1]} : vector<128x4xf32> to vector<128x1xf32>
    %sub3A_36 = arith.subf %slice3A_35, %min3A_23 : vector<128x1xf32>
    %slice3A_37 = vector.extract_strided_slice %dot_general3A_19 {offsets = [0, 3], sizes = [128, 1], strides = [1, 1]} : vector<128x4xf32> to vector<128x1xf32>
    %sub3A_38 = arith.subf %slice3A_37, %min3A_23 : vector<128x1xf32>
    %max3A = arith.maximumf %sub3A_26, %sub3A_30 : vector<128x1xf32>
    %div3A = arith.constant 7.000000e+00 : f32
    %div3A_39 = vector.broadcast %div3A : f32 to vector<128x1xf32>
    %div3A_40 = arith.divf %div3A_39, %max3A : vector<128x1xf32>
    %max3A_41 = arith.maximumf %sub3A_34, %sub3A_38 : vector<128x1xf32>
    %div3A_42 = arith.constant 7.000000e+00 : f32
    %div3A_43 = vector.broadcast %div3A_42 : f32 to vector<128x1xf32>
    %div3A_44 = arith.divf %div3A_43, %max3A_41 : vector<128x1xf32>
    %mul3A = arith.mulf %sub3A, %div3A_40 : vector<128x1xf32>
    %round3A = math.roundeven %mul3A : vector<128x1xf32>
    %convert_element_type3A_45 = arith.fptosi %round3A : vector<128x1xf32> to vector<128x1xi32>
    %mul3A_46 = arith.mulf %sub3A_26, %div3A_40 : vector<128x1xf32>
    %round3A_47 = math.roundeven %mul3A_46 : vector<128x1xf32>
    %convert_element_type3A_48 = arith.fptosi %round3A_47 : vector<128x1xf32> to vector<128x1xi32>
    %mul3A_49 = arith.mulf %sub3A_28, %div3A_40 : vector<128x1xf32>
    %round3A_50 = math.roundeven %mul3A_49 : vector<128x1xf32>
    %convert_element_type3A_51 = arith.fptosi %round3A_50 : vector<128x1xf32> to vector<128x1xi32>
    %mul3A_52 = arith.mulf %sub3A_30, %div3A_40 : vector<128x1xf32>
    %round3A_53 = math.roundeven %mul3A_52 : vector<128x1xf32>
    %convert_element_type3A_54 = arith.fptosi %round3A_53 : vector<128x1xf32> to vector<128x1xi32>
    %mul3A_55 = arith.mulf %sub3A_32, %div3A_44 : vector<128x1xf32>
    %round3A_56 = math.roundeven %mul3A_55 : vector<128x1xf32>
    %convert_element_type3A_57 = arith.fptosi %round3A_56 : vector<128x1xf32> to vector<128x1xi32>
    %mul3A_58 = arith.mulf %sub3A_34, %div3A_44 : vector<128x1xf32>
    %round3A_59 = math.roundeven %mul3A_58 : vector<128x1xf32>
    %convert_element_type3A_60 = arith.fptosi %round3A_59 : vector<128x1xf32> to vector<128x1xi32>
    %mul3A_61 = arith.mulf %sub3A_36, %div3A_44 : vector<128x1xf32>
    %round3A_62 = math.roundeven %mul3A_61 : vector<128x1xf32>
    %convert_element_type3A_63 = arith.fptosi %round3A_62 : vector<128x1xf32> to vector<128x1xi32>
    %mul3A_64 = arith.mulf %sub3A_38, %div3A_44 : vector<128x1xf32>
    %round3A_65 = math.roundeven %mul3A_64 : vector<128x1xf32>
    %convert_element_type3A_66 = arith.fptosi %round3A_65 : vector<128x1xf32> to vector<128x1xi32>
    %iota3A_67 = tpu.iota {dimensions = array<i32: 1>} : vector<128x56xi32>
    %jit3A = arith.constant 7 : i32
    %div3A_68 = vector.broadcast %jit3A : i32 to vector<128x56xi32>
    %div3A_69 = arith.divsi %iota3A_67, %div3A_68 : vector<128x56xi32>
    %sign3A = arith.constant 0 : i32
    %sign3A_70 = vector.broadcast %sign3A : i32 to vector<128x56xi32>
    %sign3A_71 = arith.cmpi sgt, %iota3A_67, %sign3A_70 : vector<128x56xi32>
    %sign3A_72 = arith.extui %sign3A_71 : vector<128x56xi1> to vector<128x56xi32>
    %sign3A_73 = arith.constant 0 : i32
    %sign3A_74 = vector.broadcast %sign3A_73 : i32 to vector<128x56xi32>
    %sign3A_75 = arith.cmpi slt, %iota3A_67, %sign3A_74 : vector<128x56xi32>
    %sign3A_76 = arith.extui %sign3A_75 : vector<128x56xi1> to vector<128x56xi32>
    %sign3A_77 = arith.subi %sign3A_72, %sign3A_76 : vector<128x56xi32>
    %sign3A_78 = arith.constant 0 : i32
    %sign3A_79 = arith.cmpi sgt, %jit3A, %sign3A_78 : i32
    %sign3A_80 = arith.extui %sign3A_79 : i1 to i32
    %sign3A_81 = arith.constant 0 : i32
    %sign3A_82 = arith.cmpi slt, %jit3A, %sign3A_81 : i32
    %sign3A_83 = arith.extui %sign3A_82 : i1 to i32
    %sign3A_84 = arith.subi %sign3A_80, %sign3A_83 : i32
    %ne3A = vector.broadcast %sign3A_84 : i32 to vector<128x56xi32>
    %ne3A_85 = arith.cmpi ne, %sign3A_77, %ne3A : vector<128x56xi32>
    %rem3A = vector.broadcast %jit3A : i32 to vector<128x56xi32>
    %rem3A_86 = arith.remsi %iota3A_67, %rem3A : vector<128x56xi32>
    %ne3A_87 = arith.constant 0 : i32
    %ne3A_88 = vector.broadcast %ne3A_87 : i32 to vector<128x56xi32>
    %ne3A_89 = arith.cmpi ne, %rem3A_86, %ne3A_88 : vector<128x56xi32>
    %and3A = arith.andi %ne3A_85, %ne3A_89 : vector<128x56xi1>
    %sub3A_90 = arith.constant 1 : i32
    %sub3A_91 = vector.broadcast %sub3A_90 : i32 to vector<128x56xi32>
    %sub3A_92 = arith.subi %div3A_69, %sub3A_91 : vector<128x56xi32>
    %select_n3A = arith.select %and3A, %sub3A_92, %div3A_69 : vector<128x56xi1>, vector<128x56xi32>
    %jit3A_93 = arith.constant 7 : i32
    %eq3A_94 = arith.constant 0 : i32
    %eq3A_95 = arith.cmpi eq, %jit3A_93, %eq3A_94 : i32
    %jit3A_96 = arith.constant 1 : i32
    %select_n3A_97 = arith.select %eq3A_95, %jit3A_96, %jit3A_93 : i32
    %rem3A_98 = vector.broadcast %select_n3A_97 : i32 to vector<128x56xi32>
    %rem3A_99 = arith.remsi %iota3A_67, %rem3A_98 : vector<128x56xi32>
    %ne3A_100 = arith.constant 0 : i32
    %ne3A_101 = vector.broadcast %ne3A_100 : i32 to vector<128x56xi32>
    %ne3A_102 = arith.cmpi ne, %rem3A_99, %ne3A_101 : vector<128x56xi32>
    %lt3A = arith.constant 0 : i32
    %lt3A_103 = vector.broadcast %lt3A : i32 to vector<128x56xi32>
    %lt3A_104 = arith.cmpi slt, %rem3A_99, %lt3A_103 : vector<128x56xi32>
    %lt3A_105 = arith.constant 0 : i32
    %lt3A_106 = arith.cmpi slt, %select_n3A_97, %lt3A_105 : i32
    %ne3A_107 = vector.broadcast %lt3A_106 : i1 to vector<128x56xi1>
    %ne3A_108 = vector.broadcast %ne3A_107 : vector<128x56xi1> to vector<128x56xi1>
    %ne3A_109 = arith.xori %lt3A_104, %ne3A_108 : vector<128x56xi1>
    %and3A_110 = arith.andi %ne3A_109, %ne3A_102 : vector<128x56xi1>
    %add3A = vector.broadcast %select_n3A_97 : i32 to vector<128x56xi32>
    %add3A_111 = arith.addi %rem3A_99, %add3A : vector<128x56xi32>
    %select_n3A_112 = arith.select %and3A_110, %add3A_111, %rem3A_99 : vector<128x56xi1>, vector<128x56xi32>
    %ge3A = vector.broadcast %convert_element_type3A_45 : vector<128x1xi32> to vector<128x56xi32>
    %ge3A_113 = arith.cmpi sge, %select_n3A, %ge3A : vector<128x56xi32>
    %lt3A_114 = vector.broadcast %convert_element_type3A_48 : vector<128x1xi32> to vector<128x56xi32>
    %lt3A_115 = arith.cmpi slt, %select_n3A, %lt3A_114 : vector<128x56xi32>
    %and3A_116 = arith.andi %ge3A_113, %lt3A_115 : vector<128x56xi1>
    %ge3A_117 = vector.broadcast %convert_element_type3A_57 : vector<128x1xi32> to vector<128x56xi32>
    %ge3A_118 = arith.cmpi sge, %select_n3A_112, %ge3A_117 : vector<128x56xi32>
    %and3A_119 = arith.andi %and3A_116, %ge3A_118 : vector<128x56xi1>
    %lt3A_120 = vector.broadcast %convert_element_type3A_60 : vector<128x1xi32> to vector<128x56xi32>
    %lt3A_121 = arith.cmpi slt, %select_n3A_112, %lt3A_120 : vector<128x56xi32>
    %and3A_122 = arith.andi %and3A_119, %lt3A_121 : vector<128x56xi1>
    %convert_element_type3A_123 = arith.extui %and3A_122 : vector<128x56xi1> to vector<128x56xi32>
    %convert_element_type3A_124 = arith.sitofp %convert_element_type3A_123 : vector<128x56xi32> to vector<128x56xf32>
    %ge3A_125 = vector.broadcast %convert_element_type3A_51 : vector<128x1xi32> to vector<128x56xi32>
    %ge3A_126 = arith.cmpi sge, %select_n3A, %ge3A_125 : vector<128x56xi32>
    %lt3A_127 = vector.broadcast %convert_element_type3A_54 : vector<128x1xi32> to vector<128x56xi32>
    %lt3A_128 = arith.cmpi slt, %select_n3A, %lt3A_127 : vector<128x56xi32>
    %and3A_129 = arith.andi %ge3A_126, %lt3A_128 : vector<128x56xi1>
    %ge3A_130 = vector.broadcast %convert_element_type3A_63 : vector<128x1xi32> to vector<128x56xi32>
    %ge3A_131 = arith.cmpi sge, %select_n3A_112, %ge3A_130 : vector<128x56xi32>
    %and3A_132 = arith.andi %and3A_129, %ge3A_131 : vector<128x56xi1>
    %lt3A_133 = vector.broadcast %convert_element_type3A_66 : vector<128x1xi32> to vector<128x56xi32>
    %lt3A_134 = arith.cmpi slt, %select_n3A_112, %lt3A_133 : vector<128x56xi32>
    %and3A_135 = arith.andi %and3A_132, %lt3A_134 : vector<128x56xi1>
    %convert_element_type3A_136 = arith.extui %and3A_135 : vector<128x56xi1> to vector<128x56xi32>
    %convert_element_type3A_137 = arith.sitofp %convert_element_type3A_136 : vector<128x56xi32> to vector<128x56xf32>
    %sub3A_138 = arith.constant 1.000000e+00 : f32
    %sub3A_139 = vector.broadcast %sub3A_138 : f32 to vector<128x56xf32>
    %sub3A_140 = arith.subf %sub3A_139, %convert_element_type3A_124 : vector<128x56xf32>
    %sub3A_141 = arith.subf %sub3A_140, %convert_element_type3A_137 : vector<128x56xf32>
    %max3A_142 = arith.constant 0.000000e+00 : f32
    %max3A_143 = vector.broadcast %max3A_142 : f32 to vector<128x56xf32>
    %max3A_144 = arith.maximumf %sub3A_141, %max3A_143 : vector<128x56xf32>
    %lt3A_145 = arith.constant 49 : i32
    %lt3A_146 = vector.broadcast %lt3A_145 : i32 to vector<128x56xi32>
    %lt3A_147 = arith.cmpi slt, %iota3A_67, %lt3A_146 : vector<128x56xi32>
    %convert_element_type3A_148 = arith.extui %lt3A_147 : vector<128x56xi1> to vector<128x56xi32>
    %convert_element_type3A_149 = arith.sitofp %convert_element_type3A_148 : vector<128x56xi32> to vector<128x56xf32>
    %mul3A_150 = arith.mulf %max3A_144, %convert_element_type3A_149 : vector<128x56xf32>
    %get3A_151 = arith.constant 0 : index
    %get3A_152 = arith.constant 0 : index
    %get3A_153 = vector.load %arg1[%get3A_151, %get3A_152] : memref<7168x256xbf16, #tpu.memory_space<vmem>>, vector<7168x256xbf16>
    %get3A_154 = arith.constant 0 : index
    %get3A_155 = arith.constant 0 : index
    %get3A_156 = vector.load %arg4[%get3A_154, %get3A_155] : memref<256x128xbf16, #tpu.memory_space<vmem>>, vector<256x128xbf16>
    %dot_general3A_157 = arith.constant dense<0.000000e+00> : vector<7168x128xf32>
    %dot_general3A_158 = tpu.matmul %get3A_153, %get3A_156, %dot_general3A_157 {dimension_numbers = #tpu.dot_dimension_numbers<[1], [0], [0], [1], [0, 0, 1, 1], [], []>, transpose_lhs_hint = false} : vector<7168x256xbf16>, vector<256x128xbf16>, vector<7168x128xf32> -> vector<7168x128xf32>
    %reshape3A = vector.shape_cast %dot_general3A_158 : vector<7168x128xf32> to vector<128x56x128xf32>
    %broadcast_in_dim3A = vector.shape_cast %convert_element_type3A_124 : vector<128x56xf32> to vector<128x56x1xf32>
    %mul3A_159 = vector.broadcast %broadcast_in_dim3A : vector<128x56x1xf32> to vector<128x56x128xf32>
    %mul3A_160 = arith.mulf %reshape3A, %mul3A_159 : vector<128x56x128xf32>
    %reshape3A_161 = vector.shape_cast %mul3A_160 : vector<128x56x128xf32> to vector<128x7168xf32>
    %get3A_162 = arith.constant 0 : index
    %get3A_163 = arith.constant 0 : index
    %get3A_164 = vector.load %arg5[%get3A_162, %get3A_163] : memref<7168x128xf32, #tpu.memory_space<vmem>>, vector<7168x128xf32>
    %dot_general3A_165 = arith.constant dense<0.000000e+00> : vector<128x128xf32>
    %dot_general3A_166 = tpu.matmul %reshape3A_161, %get3A_164, %dot_general3A_165 {dimension_numbers = #tpu.dot_dimension_numbers<[1], [0], [0], [1], [0, 0, 1, 1], [], []>, transpose_lhs_hint = false} : vector<128x7168xf32>, vector<7168x128xf32>, vector<128x128xf32> -> vector<128x128xf32>
    %get3A_167 = arith.constant 0 : index
    %get3A_168 = arith.constant 0 : index
    %get3A_169 = vector.load %arg8[%get3A_167, %get3A_168] : memref<56x128xf32, #tpu.memory_space<vmem>>, vector<56x128xf32>
    %dot_general3A_170 = arith.constant dense<0.000000e+00> : vector<128x128xf32>
    %dot_general3A_171 = tpu.matmul %convert_element_type3A_124, %get3A_169, %dot_general3A_170 {dimension_numbers = #tpu.dot_dimension_numbers<[1], [0], [0], [1], [0, 0, 1, 1], [], []>, transpose_lhs_hint = false} : vector<128x56xf32>, vector<56x128xf32>, vector<128x128xf32> -> vector<128x128xf32>
    %add3A_172 = arith.addf %dot_general3A_166, %dot_general3A_171 : vector<128x128xf32>
    %broadcast_in_dim3A_173 = vector.shape_cast %convert_element_type3A_137 : vector<128x56xf32> to vector<128x56x1xf32>
    %mul3A_174 = vector.broadcast %broadcast_in_dim3A_173 : vector<128x56x1xf32> to vector<128x56x128xf32>
    %mul3A_175 = arith.mulf %reshape3A, %mul3A_174 : vector<128x56x128xf32>
    %reshape3A_176 = vector.shape_cast %mul3A_175 : vector<128x56x128xf32> to vector<128x7168xf32>
    %get3A_177 = arith.constant 0 : index
    %get3A_178 = arith.constant 0 : index
    %get3A_179 = vector.load %arg6[%get3A_177, %get3A_178] : memref<7168x128xf32, #tpu.memory_space<vmem>>, vector<7168x128xf32>
    %dot_general3A_180 = arith.constant dense<0.000000e+00> : vector<128x128xf32>
    %dot_general3A_181 = tpu.matmul %reshape3A_176, %get3A_179, %dot_general3A_180 {dimension_numbers = #tpu.dot_dimension_numbers<[1], [0], [0], [1], [0, 0, 1, 1], [], []>, transpose_lhs_hint = false} : vector<128x7168xf32>, vector<7168x128xf32>, vector<128x128xf32> -> vector<128x128xf32>
    %get3A_182 = arith.constant 0 : index
    %get3A_183 = arith.constant 0 : index
    %get3A_184 = vector.load %arg9[%get3A_182, %get3A_183] : memref<56x128xf32, #tpu.memory_space<vmem>>, vector<56x128xf32>
    %dot_general3A_185 = arith.constant dense<0.000000e+00> : vector<128x128xf32>
    %dot_general3A_186 = tpu.matmul %convert_element_type3A_137, %get3A_184, %dot_general3A_185 {dimension_numbers = #tpu.dot_dimension_numbers<[1], [0], [0], [1], [0, 0, 1, 1], [], []>, transpose_lhs_hint = false} : vector<128x56xf32>, vector<56x128xf32>, vector<128x128xf32> -> vector<128x128xf32>
    %add3A_187 = arith.addf %dot_general3A_181, %dot_general3A_186 : vector<128x128xf32>
    %broadcast_in_dim3A_188 = vector.shape_cast %mul3A_150 : vector<128x56xf32> to vector<128x56x1xf32>
    %mul3A_189 = vector.broadcast %broadcast_in_dim3A_188 : vector<128x56x1xf32> to vector<128x56x128xf32>
    %mul3A_190 = arith.mulf %reshape3A, %mul3A_189 : vector<128x56x128xf32>
    %reshape3A_191 = vector.shape_cast %mul3A_190 : vector<128x56x128xf32> to vector<128x7168xf32>
    %get3A_192 = arith.constant 0 : index
    %get3A_193 = arith.constant 0 : index
    %get3A_194 = vector.load %arg7[%get3A_192, %get3A_193] : memref<7168x128xf32, #tpu.memory_space<vmem>>, vector<7168x128xf32>
    %dot_general3A_195 = arith.constant dense<0.000000e+00> : vector<128x128xf32>
    %dot_general3A_196 = tpu.matmul %reshape3A_191, %get3A_194, %dot_general3A_195 {dimension_numbers = #tpu.dot_dimension_numbers<[1], [0], [0], [1], [0, 0, 1, 1], [], []>, transpose_lhs_hint = false} : vector<128x7168xf32>, vector<7168x128xf32>, vector<128x128xf32> -> vector<128x128xf32>
    %get3A_197 = arith.constant 0 : index
    %get3A_198 = arith.constant 0 : index
    %get3A_199 = vector.load %arg10[%get3A_197, %get3A_198] : memref<56x128xf32, #tpu.memory_space<vmem>>, vector<56x128xf32>
    %dot_general3A_200 = arith.constant dense<0.000000e+00> : vector<128x128xf32>
    %dot_general3A_201 = tpu.matmul %mul3A_150, %get3A_199, %dot_general3A_200 {dimension_numbers = #tpu.dot_dimension_numbers<[1], [0], [0], [1], [0, 0, 1, 1], [], []>, transpose_lhs_hint = false} : vector<128x56xf32>, vector<56x128xf32>, vector<128x128xf32> -> vector<128x128xf32>
    %add3A_202 = arith.addf %dot_general3A_196, %dot_general3A_201 : vector<128x128xf32>
    %get3A_203 = arith.constant 0 : index
    %get3A_204 = arith.constant 0 : index
    %get3A_205 = vector.load %arg11[%get3A_203, %get3A_204] : memref<128x128xf32, #tpu.memory_space<vmem>>, vector<128x128xf32>
    %dot_general3A_206 = arith.constant dense<0.000000e+00> : vector<128x128xf32>
    %dot_general3A_207 = tpu.matmul %add3A_172, %get3A_205, %dot_general3A_206 {dimension_numbers = #tpu.dot_dimension_numbers<[1], [0], [0], [1], [0, 0, 1, 1], [], []>, transpose_lhs_hint = false} : vector<128x128xf32>, vector<128x128xf32>, vector<128x128xf32> -> vector<128x128xf32>
    %get3A_208 = arith.constant 0 : index
    %get3A_209 = arith.constant 0 : index
    %get3A_210 = vector.load %arg12[%get3A_208, %get3A_209] : memref<128x128xf32, #tpu.memory_space<vmem>>, vector<128x128xf32>
    %dot_general3A_211 = arith.constant dense<0.000000e+00> : vector<128x128xf32>
    %dot_general3A_212 = tpu.matmul %add3A_187, %get3A_210, %dot_general3A_211 {dimension_numbers = #tpu.dot_dimension_numbers<[1], [0], [0], [1], [0, 0, 1, 1], [], []>, transpose_lhs_hint = false} : vector<128x128xf32>, vector<128x128xf32>, vector<128x128xf32> -> vector<128x128xf32>
    %add3A_213 = arith.addf %dot_general3A_207, %dot_general3A_212 : vector<128x128xf32>
    %get3A_214 = arith.constant 0 : index
    %get3A_215 = arith.constant 0 : index
    %get3A_216 = vector.load %arg13[%get3A_214, %get3A_215] : memref<128x128xf32, #tpu.memory_space<vmem>>, vector<128x128xf32>
    %dot_general3A_217 = arith.constant dense<0.000000e+00> : vector<128x128xf32>
    %dot_general3A_218 = tpu.matmul %add3A_202, %get3A_216, %dot_general3A_217 {dimension_numbers = #tpu.dot_dimension_numbers<[1], [0], [0], [1], [0, 0, 1, 1], [], []>, transpose_lhs_hint = false} : vector<128x128xf32>, vector<128x128xf32>, vector<128x128xf32> -> vector<128x128xf32>
    %add3A_219 = arith.addf %add3A_213, %dot_general3A_218 : vector<128x128xf32>
    %get3A_220 = arith.constant 0 : index
    %get3A_221 = arith.constant 0 : index
    %get3A_222 = vector.load %arg14[%get3A_220, %get3A_221] : memref<1x128xf32, #tpu.memory_space<vmem>>, vector<1x128xf32>
    %add3A_223 = vector.broadcast %get3A_222 : vector<1x128xf32> to vector<128x128xf32>
    %add3A_224 = arith.addf %add3A_219, %add3A_223 : vector<128x128xf32>
    %max3A_225 = arith.constant 0.000000e+00 : f32
    %max3A_226 = vector.broadcast %max3A_225 : f32 to vector<128x128xf32>
    %max3A_227 = arith.maximumf %add3A_224, %max3A_226 : vector<128x128xf32>
    %get3A_228 = arith.constant 0 : index
    %get3A_229 = arith.constant 0 : index
    %get3A_230 = vector.load %arg15[%get3A_228, %get3A_229] : memref<128x128xf32, #tpu.memory_space<vmem>>, vector<128x128xf32>
    %dot_general3A_231 = arith.constant dense<0.000000e+00> : vector<128x128xf32>
    %dot_general3A_232 = tpu.matmul %max3A_227, %get3A_230, %dot_general3A_231 {dimension_numbers = #tpu.dot_dimension_numbers<[1], [0], [0], [1], [0, 0, 1, 1], [], []>, transpose_lhs_hint = false} : vector<128x128xf32>, vector<128x128xf32>, vector<128x128xf32> -> vector<128x128xf32>
    %get3A_233 = arith.constant 0 : index
    %get3A_234 = arith.constant 0 : index
    %get3A_235 = vector.load %arg16[%get3A_233, %get3A_234] : memref<1x128xf32, #tpu.memory_space<vmem>>, vector<1x128xf32>
    %add3A_236 = vector.broadcast %get3A_235 : vector<1x128xf32> to vector<128x128xf32>
    %add3A_237 = arith.addf %dot_general3A_232, %add3A_236 : vector<128x128xf32>
    %max3A_238 = arith.constant 0.000000e+00 : f32
    %max3A_239 = vector.broadcast %max3A_238 : f32 to vector<128x128xf32>
    %max3A_240 = arith.maximumf %add3A_237, %max3A_239 : vector<128x128xf32>
    %swap3A = arith.constant 0 : index
    %swap3A_241 = arith.constant 0 : index
    %swap3A_242 = vector.load %arg17[%swap3A, %swap3A_241] : memref<128x128xf32, #tpu.memory_space<vmem>>, vector<128x128xf32>
    tpu.vector_store %arg17[%swap3A, %swap3A_241], %max3A_240 {strides = array<i32>} : memref<128x128xf32, #tpu.memory_space<vmem>>, vector<128x128xf32>,
    return
  }
  func.func @transform_0(%arg0: i32) -> (i32, i32) {
    %c0_i32 = arith.constant 0 : i32
    %c0_i32_0 = arith.constant 0 : i32
    return %arg0, %c0_i32 : i32, i32
  }
  func.func @transform_1(%arg0: i32) -> (i32, i32) {
    %c0_i32 = arith.constant 0 : i32
    %c0_i32_0 = arith.constant 0 : i32
    return %arg0, %c0_i32 : i32, i32
  }
  func.func @transform_2(%arg0: i32) -> (i32, i32) {
    %c0_i32 = arith.constant 0 : i32
    %c0_i32_0 = arith.constant 0 : i32
    %c0_i32_1 = arith.constant 0 : i32
    return %c0_i32, %c0_i32_0 : i32, i32
  }
  func.func @transform_3(%arg0: i32) -> (i32, i32) {
    %c0_i32 = arith.constant 0 : i32
    %c0_i32_0 = arith.constant 0 : i32
    %c0_i32_1 = arith.constant 0 : i32
    return %c0_i32, %c0_i32_0 : i32, i32
  }
  func.func @transform_4(%arg0: i32) -> (i32, i32) {
    %c0_i32 = arith.constant 0 : i32
    %c0_i32_0 = arith.constant 0 : i32
    %c0_i32_1 = arith.constant 0 : i32
    return %c0_i32, %c0_i32_0 : i32, i32
  }
  func.func @transform_5(%arg0: i32) -> (i32, i32) {
    %c0_i32 = arith.constant 0 : i32
    %c0_i32_0 = arith.constant 0 : i32
    %c0_i32_1 = arith.constant 0 : i32
    return %c0_i32, %c0_i32_0 : i32, i32
  }
  func.func @transform_6(%arg0: i32) -> (i32, i32) {
    %c0_i32 = arith.constant 0 : i32
    %c0_i32_0 = arith.constant 0 : i32
    %c0_i32_1 = arith.constant 0 : i32
    return %c0_i32, %c0_i32_0 : i32, i32
  }
  func.func @transform_7(%arg0: i32) -> (i32, i32) {
    %c0_i32 = arith.constant 0 : i32
    %c0_i32_0 = arith.constant 0 : i32
    %c0_i32_1 = arith.constant 0 : i32
    return %c0_i32, %c0_i32_0 : i32, i32
  }
  func.func @transform_8(%arg0: i32) -> (i32, i32) {
    %c0_i32 = arith.constant 0 : i32
    %c0_i32_0 = arith.constant 0 : i32
    %c0_i32_1 = arith.constant 0 : i32
    return %c0_i32, %c0_i32_0 : i32, i32
  }
  func.func @transform_9(%arg0: i32) -> (i32, i32) {
    %c0_i32 = arith.constant 0 : i32
    %c0_i32_0 = arith.constant 0 : i32
    %c0_i32_1 = arith.constant 0 : i32
    return %c0_i32, %c0_i32_0 : i32, i32
  }
  func.func @transform_10(%arg0: i32) -> (i32, i32) {
    %c0_i32 = arith.constant 0 : i32
    %c0_i32_0 = arith.constant 0 : i32
    %c0_i32_1 = arith.constant 0 : i32
    return %c0_i32, %c0_i32_0 : i32, i32
  }
  func.func @transform_11(%arg0: i32) -> (i32, i32) {
    %c0_i32 = arith.constant 0 : i32
    %c0_i32_0 = arith.constant 0 : i32
    %c0_i32_1 = arith.constant 0 : i32
    return %c0_i32, %c0_i32_0 : i32, i32
  }
  func.func @transform_12(%arg0: i32) -> (i32, i32) {
    %c0_i32 = arith.constant 0 : i32
    %c0_i32_0 = arith.constant 0 : i32
    %c0_i32_1 = arith.constant 0 : i32
    return %c0_i32, %c0_i32_0 : i32, i32
  }
  func.func @transform_13(%arg0: i32) -> (i32, i32) {
    %c0_i32 = arith.constant 0 : i32
    %c0_i32_0 = arith.constant 0 : i32
    %c0_i32_1 = arith.constant 0 : i32
    return %c0_i32, %c0_i32_0 : i32, i32
  }
  func.func @transform_14(%arg0: i32) -> (i32, i32) {
    %c0_i32 = arith.constant 0 : i32
    %c0_i32_0 = arith.constant 0 : i32
    %c0_i32_1 = arith.constant 0 : i32
    return %c0_i32, %c0_i32_0 : i32, i32
  }
  func.func @transform_15(%arg0: i32) -> (i32, i32) {
    %c0_i32 = arith.constant 0 : i32
    %c0_i32_0 = arith.constant 0 : i32
    %c0_i32_1 = arith.constant 0 : i32
    return %c0_i32, %c0_i32_0 : i32, i32
  }
  func.func @transform_16(%arg0: i32) -> (i32, i32) {
    %c0_i32 = arith.constant 0 : i32
    %c0_i32_0 = arith.constant 0 : i32
    return %arg0, %c0_i32 : i32, i32
  }
}

module attributes {stable_mosaic.version = 14 : i64} {
  func.func @_gcn_kernel(%arg0: memref<512x128xf32, #tpu.memory_space<vmem>>, %arg1: memref<2048x128xf32, #tpu.memory_space<vmem>>, %arg2: memref<2048x2xi32, #tpu.memory_space<vmem>>, %arg3: memref<2x2048xi32, #tpu.memory_space<vmem>>, %arg4: memref<4x128x128xf32, #tpu.memory_space<vmem>>, %arg5: memref<4x128xf32, #tpu.memory_space<vmem>>, %arg6: memref<128x151xf32, #tpu.memory_space<vmem>>, %arg7: memref<1x151xf32, #tpu.memory_space<vmem>>, %arg8: memref<128x51xf32, #tpu.memory_space<vmem>>, %arg9: memref<1x51xf32, #tpu.memory_space<vmem>>, %arg10: memref<512x151xf32, #tpu.memory_space<vmem>>, %arg11: memref<2048x51xf32, #tpu.memory_space<vmem>>) attributes {dimension_semantics = [], scalar_prefetch = 0 : i64, scratch_operands = 0 : i64, tpu.core_type = #tpu.core_type<tc>} {
    %get3A = arith.constant 0 : index
    %get3A_0 = arith.constant 0 : index
    %get3A_1 = vector.load %arg3[%get3A, %get3A_0] : memref<2x2048xi32, #tpu.memory_space<vmem>>, vector<1x2048xi32>
    %get3A_2 = arith.constant 1 : index
    %get3A_3 = arith.constant 0 : index
    %get3A_4 = vector.load %arg3[%get3A_2, %get3A_3] : memref<2x2048xi32, #tpu.memory_space<vmem>>, vector<1x2048xi32>
    %get3A_5 = arith.constant 0 : index
    %get3A_6 = arith.constant 0 : index
    %get3A_7 = vector.load %arg2[%get3A_5, %get3A_6] : memref<2048x2xi32, #tpu.memory_space<vmem>>, vector<2048x1xi32>
    %get3A_8 = arith.constant 0 : index
    %get3A_9 = arith.constant 1 : index
    %get3A_10 = vector.load %arg2[%get3A_8, %get3A_9] : memref<2048x2xi32, #tpu.memory_space<vmem>>, vector<2048x1xi32>
    %iota3A = tpu.iota {dimensions = array<i32: 0>} : vector<512x2048xi32>
    %eq3A = vector.broadcast %get3A_1 : vector<1x2048xi32> to vector<512x2048xi32>
    %eq3A_11 = arith.cmpi eq, %iota3A, %eq3A : vector<512x2048xi32>
    %convert_element_type3A = arith.extui %eq3A_11 : vector<512x2048xi1> to vector<512x2048xi32>
    %convert_element_type3A_12 = arith.sitofp %convert_element_type3A : vector<512x2048xi32> to vector<512x2048xf32>
    %eq3A_13 = vector.broadcast %get3A_4 : vector<1x2048xi32> to vector<512x2048xi32>
    %eq3A_14 = arith.cmpi eq, %iota3A, %eq3A_13 : vector<512x2048xi32>
    %convert_element_type3A_15 = arith.extui %eq3A_14 : vector<512x2048xi1> to vector<512x2048xi32>
    %convert_element_type3A_16 = arith.sitofp %convert_element_type3A_15 : vector<512x2048xi32> to vector<512x2048xf32>
    %add3A = arith.addf %convert_element_type3A_12, %convert_element_type3A_16 : vector<512x2048xf32>
    %min3A = arith.constant 1.000000e+00 : f32
    %min3A_17 = vector.broadcast %min3A : f32 to vector<512x2048xf32>
    %min3A_18 = arith.minimumf %add3A, %min3A_17 : vector<512x2048xf32>
    %iota3A_19 = tpu.iota {dimensions = array<i32: 1>} : vector<2048x512xi32>
    %eq3A_20 = vector.broadcast %get3A_7 : vector<2048x1xi32> to vector<2048x512xi32>
    %eq3A_21 = arith.cmpi eq, %iota3A_19, %eq3A_20 : vector<2048x512xi32>
    %convert_element_type3A_22 = arith.extui %eq3A_21 : vector<2048x512xi1> to vector<2048x512xi32>
    %convert_element_type3A_23 = arith.sitofp %convert_element_type3A_22 : vector<2048x512xi32> to vector<2048x512xf32>
    %eq3A_24 = vector.broadcast %get3A_10 : vector<2048x1xi32> to vector<2048x512xi32>
    %eq3A_25 = arith.cmpi eq, %iota3A_19, %eq3A_24 : vector<2048x512xi32>
    %convert_element_type3A_26 = arith.extui %eq3A_25 : vector<2048x512xi1> to vector<2048x512xi32>
    %convert_element_type3A_27 = arith.sitofp %convert_element_type3A_26 : vector<2048x512xi32> to vector<2048x512xf32>
    %add3A_28 = arith.addf %convert_element_type3A_23, %convert_element_type3A_27 : vector<2048x512xf32>
    %min3A_29 = arith.constant 1.000000e+00 : f32
    %min3A_30 = vector.broadcast %min3A_29 : f32 to vector<2048x512xf32>
    %min3A_31 = arith.minimumf %add3A_28, %min3A_30 : vector<2048x512xf32>
    %dot_general3A = arith.constant dense<0.000000e+00> : vector<512x512xf32>
    %dot_general3A_32 = tpu.matmul %convert_element_type3A_12, %convert_element_type3A_27, %dot_general3A {dimension_numbers = #tpu.dot_dimension_numbers<[1], [0], [0], [1], [0, 0, 1, 1], [], []>, transpose_lhs_hint = false} : vector<512x2048xf32>, vector<2048x512xf32>, vector<512x512xf32> -> vector<512x512xf32>
    %min3A_33 = arith.constant 1.000000e+00 : f32
    %min3A_34 = vector.broadcast %min3A_33 : f32 to vector<512x512xf32>
    %min3A_35 = arith.minimumf %dot_general3A_32, %min3A_34 : vector<512x512xf32>
    %get3A_36 = arith.constant 0 : index
    %get3A_37 = arith.constant 0 : index
    %get3A_38 = vector.load %arg0[%get3A_36, %get3A_37] : memref<512x128xf32, #tpu.memory_space<vmem>>, vector<512x128xf32>
    %get3A_39 = arith.constant 0 : index
    %get3A_40 = arith.constant 0 : index
    %get3A_41 = vector.load %arg1[%get3A_39, %get3A_40] : memref<2048x128xf32, #tpu.memory_space<vmem>>, vector<2048x128xf32>
    %get3A_42 = arith.constant 0 : index
    %get3A_43 = arith.constant 0 : index
    %get3A_44 = arith.constant 0 : index
    %get3A_45 = vector.load %arg4[%get3A_42, %get3A_43, %get3A_44] : memref<4x128x128xf32, #tpu.memory_space<vmem>>, vector<1x128x128xf32>
    %get3A_46 = vector.shape_cast %get3A_45 : vector<1x128x128xf32> to vector<128x128xf32>
    %get3A_47 = arith.constant 0 : index
    %get3A_48 = arith.constant 0 : index
    %get3A_49 = vector.load %arg5[%get3A_47, %get3A_48] : memref<4x128xf32, #tpu.memory_space<vmem>>, vector<1x128xf32>
    %dot_general3A_50 = arith.constant dense<0.000000e+00> : vector<512x128xf32>
    %dot_general3A_51 = tpu.matmul %get3A_38, %get3A_46, %dot_general3A_50 {dimension_numbers = #tpu.dot_dimension_numbers<[1], [0], [0], [1], [0, 0, 1, 1], [], []>, transpose_lhs_hint = false} : vector<512x128xf32>, vector<128x128xf32>, vector<512x128xf32> -> vector<512x128xf32>
    %dot_general3A_52 = arith.constant dense<0.000000e+00> : vector<2048x128xf32>
    %dot_general3A_53 = tpu.matmul %get3A_41, %get3A_46, %dot_general3A_52 {dimension_numbers = #tpu.dot_dimension_numbers<[1], [0], [0], [1], [0, 0, 1, 1], [], []>, transpose_lhs_hint = false} : vector<2048x128xf32>, vector<128x128xf32>, vector<2048x128xf32> -> vector<2048x128xf32>
    %dot_general3A_54 = arith.constant dense<0.000000e+00> : vector<512x128xf32>
    %dot_general3A_55 = tpu.matmul %min3A_35, %dot_general3A_51, %dot_general3A_54 {dimension_numbers = #tpu.dot_dimension_numbers<[1], [0], [0], [1], [0, 0, 1, 1], [], []>, transpose_lhs_hint = false} : vector<512x512xf32>, vector<512x128xf32>, vector<512x128xf32> -> vector<512x128xf32>
    %dot_general3A_56 = arith.constant dense<0.000000e+00> : vector<512x128xf32>
    %dot_general3A_57 = tpu.matmul %min3A_18, %dot_general3A_53, %dot_general3A_56 {dimension_numbers = #tpu.dot_dimension_numbers<[1], [0], [0], [1], [0, 0, 1, 1], [], []>, transpose_lhs_hint = false} : vector<512x2048xf32>, vector<2048x128xf32>, vector<512x128xf32> -> vector<512x128xf32>
    %add3A_58 = arith.addf %dot_general3A_55, %dot_general3A_57 : vector<512x128xf32>
    %add3A_59 = arith.addf %add3A_58, %dot_general3A_51 : vector<512x128xf32>
    %add3A_60 = vector.broadcast %get3A_49 : vector<1x128xf32> to vector<512x128xf32>
    %add3A_61 = arith.addf %add3A_59, %add3A_60 : vector<512x128xf32>
    %dot_general3A_62 = arith.constant dense<0.000000e+00> : vector<2048x128xf32>
    %dot_general3A_63 = tpu.matmul %min3A_31, %dot_general3A_51, %dot_general3A_62 {dimension_numbers = #tpu.dot_dimension_numbers<[1], [0], [0], [1], [0, 0, 1, 1], [], []>, transpose_lhs_hint = false} : vector<2048x512xf32>, vector<512x128xf32>, vector<2048x128xf32> -> vector<2048x128xf32>
    %add3A_64 = arith.addf %dot_general3A_63, %dot_general3A_53 : vector<2048x128xf32>
    %add3A_65 = vector.broadcast %get3A_49 : vector<1x128xf32> to vector<2048x128xf32>
    %add3A_66 = arith.addf %add3A_64, %add3A_65 : vector<2048x128xf32>
    %max3A = arith.constant 0.000000e+00 : f32
    %max3A_67 = vector.broadcast %max3A : f32 to vector<512x128xf32>
    %max3A_68 = arith.maximumf %add3A_61, %max3A_67 : vector<512x128xf32>
    %add3A_69 = arith.addf %get3A_38, %max3A_68 : vector<512x128xf32>
    %max3A_70 = arith.constant 0.000000e+00 : f32
    %max3A_71 = vector.broadcast %max3A_70 : f32 to vector<2048x128xf32>
    %max3A_72 = arith.maximumf %add3A_66, %max3A_71 : vector<2048x128xf32>
    %add3A_73 = arith.addf %get3A_41, %max3A_72 : vector<2048x128xf32>
    %get3A_74 = arith.constant 1 : index
    %get3A_75 = arith.constant 0 : index
    %get3A_76 = arith.constant 0 : index
    %get3A_77 = vector.load %arg4[%get3A_74, %get3A_75, %get3A_76] : memref<4x128x128xf32, #tpu.memory_space<vmem>>, vector<1x128x128xf32>
    %get3A_78 = vector.shape_cast %get3A_77 : vector<1x128x128xf32> to vector<128x128xf32>
    %get3A_79 = arith.constant 1 : index
    %get3A_80 = arith.constant 0 : index
    %get3A_81 = vector.load %arg5[%get3A_79, %get3A_80] : memref<4x128xf32, #tpu.memory_space<vmem>>, vector<1x128xf32>
    %dot_general3A_82 = arith.constant dense<0.000000e+00> : vector<512x128xf32>
    %dot_general3A_83 = tpu.matmul %add3A_69, %get3A_78, %dot_general3A_82 {dimension_numbers = #tpu.dot_dimension_numbers<[1], [0], [0], [1], [0, 0, 1, 1], [], []>, transpose_lhs_hint = false} : vector<512x128xf32>, vector<128x128xf32>, vector<512x128xf32> -> vector<512x128xf32>
    %dot_general3A_84 = arith.constant dense<0.000000e+00> : vector<2048x128xf32>
    %dot_general3A_85 = tpu.matmul %add3A_73, %get3A_78, %dot_general3A_84 {dimension_numbers = #tpu.dot_dimension_numbers<[1], [0], [0], [1], [0, 0, 1, 1], [], []>, transpose_lhs_hint = false} : vector<2048x128xf32>, vector<128x128xf32>, vector<2048x128xf32> -> vector<2048x128xf32>
    %dot_general3A_86 = arith.constant dense<0.000000e+00> : vector<512x128xf32>
    %dot_general3A_87 = tpu.matmul %min3A_35, %dot_general3A_83, %dot_general3A_86 {dimension_numbers = #tpu.dot_dimension_numbers<[1], [0], [0], [1], [0, 0, 1, 1], [], []>, transpose_lhs_hint = false} : vector<512x512xf32>, vector<512x128xf32>, vector<512x128xf32> -> vector<512x128xf32>
    %dot_general3A_88 = arith.constant dense<0.000000e+00> : vector<512x128xf32>
    %dot_general3A_89 = tpu.matmul %min3A_18, %dot_general3A_85, %dot_general3A_88 {dimension_numbers = #tpu.dot_dimension_numbers<[1], [0], [0], [1], [0, 0, 1, 1], [], []>, transpose_lhs_hint = false} : vector<512x2048xf32>, vector<2048x128xf32>, vector<512x128xf32> -> vector<512x128xf32>
    %add3A_90 = arith.addf %dot_general3A_87, %dot_general3A_89 : vector<512x128xf32>
    %add3A_91 = arith.addf %add3A_90, %dot_general3A_83 : vector<512x128xf32>
    %add3A_92 = vector.broadcast %get3A_81 : vector<1x128xf32> to vector<512x128xf32>
    %add3A_93 = arith.addf %add3A_91, %add3A_92 : vector<512x128xf32>
    %dot_general3A_94 = arith.constant dense<0.000000e+00> : vector<2048x128xf32>
    %dot_general3A_95 = tpu.matmul %min3A_31, %dot_general3A_83, %dot_general3A_94 {dimension_numbers = #tpu.dot_dimension_numbers<[1], [0], [0], [1], [0, 0, 1, 1], [], []>, transpose_lhs_hint = false} : vector<2048x512xf32>, vector<512x128xf32>, vector<2048x128xf32> -> vector<2048x128xf32>
    %add3A_96 = arith.addf %dot_general3A_95, %dot_general3A_85 : vector<2048x128xf32>
    %add3A_97 = vector.broadcast %get3A_81 : vector<1x128xf32> to vector<2048x128xf32>
    %add3A_98 = arith.addf %add3A_96, %add3A_97 : vector<2048x128xf32>
    %max3A_99 = arith.constant 0.000000e+00 : f32
    %max3A_100 = vector.broadcast %max3A_99 : f32 to vector<512x128xf32>
    %max3A_101 = arith.maximumf %add3A_93, %max3A_100 : vector<512x128xf32>
    %add3A_102 = arith.addf %add3A_69, %max3A_101 : vector<512x128xf32>
    %max3A_103 = arith.constant 0.000000e+00 : f32
    %max3A_104 = vector.broadcast %max3A_103 : f32 to vector<2048x128xf32>
    %max3A_105 = arith.maximumf %add3A_98, %max3A_104 : vector<2048x128xf32>
    %add3A_106 = arith.addf %add3A_73, %max3A_105 : vector<2048x128xf32>
    %get3A_107 = arith.constant 2 : index
    %get3A_108 = arith.constant 0 : index
    %get3A_109 = arith.constant 0 : index
    %get3A_110 = vector.load %arg4[%get3A_107, %get3A_108, %get3A_109] : memref<4x128x128xf32, #tpu.memory_space<vmem>>, vector<1x128x128xf32>
    %get3A_111 = vector.shape_cast %get3A_110 : vector<1x128x128xf32> to vector<128x128xf32>
    %get3A_112 = arith.constant 2 : index
    %get3A_113 = arith.constant 0 : index
    %get3A_114 = vector.load %arg5[%get3A_112, %get3A_113] : memref<4x128xf32, #tpu.memory_space<vmem>>, vector<1x128xf32>
    %dot_general3A_115 = arith.constant dense<0.000000e+00> : vector<512x128xf32>
    %dot_general3A_116 = tpu.matmul %add3A_102, %get3A_111, %dot_general3A_115 {dimension_numbers = #tpu.dot_dimension_numbers<[1], [0], [0], [1], [0, 0, 1, 1], [], []>, transpose_lhs_hint = false} : vector<512x128xf32>, vector<128x128xf32>, vector<512x128xf32> -> vector<512x128xf32>
    %dot_general3A_117 = arith.constant dense<0.000000e+00> : vector<2048x128xf32>
    %dot_general3A_118 = tpu.matmul %add3A_106, %get3A_111, %dot_general3A_117 {dimension_numbers = #tpu.dot_dimension_numbers<[1], [0], [0], [1], [0, 0, 1, 1], [], []>, transpose_lhs_hint = false} : vector<2048x128xf32>, vector<128x128xf32>, vector<2048x128xf32> -> vector<2048x128xf32>
    %dot_general3A_119 = arith.constant dense<0.000000e+00> : vector<512x128xf32>
    %dot_general3A_120 = tpu.matmul %min3A_35, %dot_general3A_116, %dot_general3A_119 {dimension_numbers = #tpu.dot_dimension_numbers<[1], [0], [0], [1], [0, 0, 1, 1], [], []>, transpose_lhs_hint = false} : vector<512x512xf32>, vector<512x128xf32>, vector<512x128xf32> -> vector<512x128xf32>
    %dot_general3A_121 = arith.constant dense<0.000000e+00> : vector<512x128xf32>
    %dot_general3A_122 = tpu.matmul %min3A_18, %dot_general3A_118, %dot_general3A_121 {dimension_numbers = #tpu.dot_dimension_numbers<[1], [0], [0], [1], [0, 0, 1, 1], [], []>, transpose_lhs_hint = false} : vector<512x2048xf32>, vector<2048x128xf32>, vector<512x128xf32> -> vector<512x128xf32>
    %add3A_123 = arith.addf %dot_general3A_120, %dot_general3A_122 : vector<512x128xf32>
    %add3A_124 = arith.addf %add3A_123, %dot_general3A_116 : vector<512x128xf32>
    %add3A_125 = vector.broadcast %get3A_114 : vector<1x128xf32> to vector<512x128xf32>
    %add3A_126 = arith.addf %add3A_124, %add3A_125 : vector<512x128xf32>
    %dot_general3A_127 = arith.constant dense<0.000000e+00> : vector<2048x128xf32>
    %dot_general3A_128 = tpu.matmul %min3A_31, %dot_general3A_116, %dot_general3A_127 {dimension_numbers = #tpu.dot_dimension_numbers<[1], [0], [0], [1], [0, 0, 1, 1], [], []>, transpose_lhs_hint = false} : vector<2048x512xf32>, vector<512x128xf32>, vector<2048x128xf32> -> vector<2048x128xf32>
    %add3A_129 = arith.addf %dot_general3A_128, %dot_general3A_118 : vector<2048x128xf32>
    %add3A_130 = vector.broadcast %get3A_114 : vector<1x128xf32> to vector<2048x128xf32>
    %add3A_131 = arith.addf %add3A_129, %add3A_130 : vector<2048x128xf32>
    %max3A_132 = arith.constant 0.000000e+00 : f32
    %max3A_133 = vector.broadcast %max3A_132 : f32 to vector<512x128xf32>
    %max3A_134 = arith.maximumf %add3A_126, %max3A_133 : vector<512x128xf32>
    %add3A_135 = arith.addf %add3A_102, %max3A_134 : vector<512x128xf32>
    %max3A_136 = arith.constant 0.000000e+00 : f32
    %max3A_137 = vector.broadcast %max3A_136 : f32 to vector<2048x128xf32>
    %max3A_138 = arith.maximumf %add3A_131, %max3A_137 : vector<2048x128xf32>
    %add3A_139 = arith.addf %add3A_106, %max3A_138 : vector<2048x128xf32>
    %get3A_140 = arith.constant 3 : index
    %get3A_141 = arith.constant 0 : index
    %get3A_142 = arith.constant 0 : index
    %get3A_143 = vector.load %arg4[%get3A_140, %get3A_141, %get3A_142] : memref<4x128x128xf32, #tpu.memory_space<vmem>>, vector<1x128x128xf32>
    %get3A_144 = vector.shape_cast %get3A_143 : vector<1x128x128xf32> to vector<128x128xf32>
    %get3A_145 = arith.constant 3 : index
    %get3A_146 = arith.constant 0 : index
    %get3A_147 = vector.load %arg5[%get3A_145, %get3A_146] : memref<4x128xf32, #tpu.memory_space<vmem>>, vector<1x128xf32>
    %dot_general3A_148 = arith.constant dense<0.000000e+00> : vector<512x128xf32>
    %dot_general3A_149 = tpu.matmul %add3A_135, %get3A_144, %dot_general3A_148 {dimension_numbers = #tpu.dot_dimension_numbers<[1], [0], [0], [1], [0, 0, 1, 1], [], []>, transpose_lhs_hint = false} : vector<512x128xf32>, vector<128x128xf32>, vector<512x128xf32> -> vector<512x128xf32>
    %dot_general3A_150 = arith.constant dense<0.000000e+00> : vector<2048x128xf32>
    %dot_general3A_151 = tpu.matmul %add3A_139, %get3A_144, %dot_general3A_150 {dimension_numbers = #tpu.dot_dimension_numbers<[1], [0], [0], [1], [0, 0, 1, 1], [], []>, transpose_lhs_hint = false} : vector<2048x128xf32>, vector<128x128xf32>, vector<2048x128xf32> -> vector<2048x128xf32>
    %dot_general3A_152 = arith.constant dense<0.000000e+00> : vector<512x128xf32>
    %dot_general3A_153 = tpu.matmul %min3A_35, %dot_general3A_149, %dot_general3A_152 {dimension_numbers = #tpu.dot_dimension_numbers<[1], [0], [0], [1], [0, 0, 1, 1], [], []>, transpose_lhs_hint = false} : vector<512x512xf32>, vector<512x128xf32>, vector<512x128xf32> -> vector<512x128xf32>
    %dot_general3A_154 = arith.constant dense<0.000000e+00> : vector<512x128xf32>
    %dot_general3A_155 = tpu.matmul %min3A_18, %dot_general3A_151, %dot_general3A_154 {dimension_numbers = #tpu.dot_dimension_numbers<[1], [0], [0], [1], [0, 0, 1, 1], [], []>, transpose_lhs_hint = false} : vector<512x2048xf32>, vector<2048x128xf32>, vector<512x128xf32> -> vector<512x128xf32>
    %add3A_156 = arith.addf %dot_general3A_153, %dot_general3A_155 : vector<512x128xf32>
    %add3A_157 = arith.addf %add3A_156, %dot_general3A_149 : vector<512x128xf32>
    %add3A_158 = vector.broadcast %get3A_147 : vector<1x128xf32> to vector<512x128xf32>
    %add3A_159 = arith.addf %add3A_157, %add3A_158 : vector<512x128xf32>
    %dot_general3A_160 = arith.constant dense<0.000000e+00> : vector<2048x128xf32>
    %dot_general3A_161 = tpu.matmul %min3A_31, %dot_general3A_149, %dot_general3A_160 {dimension_numbers = #tpu.dot_dimension_numbers<[1], [0], [0], [1], [0, 0, 1, 1], [], []>, transpose_lhs_hint = false} : vector<2048x512xf32>, vector<512x128xf32>, vector<2048x128xf32> -> vector<2048x128xf32>
    %add3A_162 = arith.addf %dot_general3A_161, %dot_general3A_151 : vector<2048x128xf32>
    %add3A_163 = vector.broadcast %get3A_147 : vector<1x128xf32> to vector<2048x128xf32>
    %add3A_164 = arith.addf %add3A_162, %add3A_163 : vector<2048x128xf32>
    %max3A_165 = arith.constant 0.000000e+00 : f32
    %max3A_166 = vector.broadcast %max3A_165 : f32 to vector<512x128xf32>
    %max3A_167 = arith.maximumf %add3A_159, %max3A_166 : vector<512x128xf32>
    %add3A_168 = arith.addf %add3A_135, %max3A_167 : vector<512x128xf32>
    %max3A_169 = arith.constant 0.000000e+00 : f32
    %max3A_170 = vector.broadcast %max3A_169 : f32 to vector<2048x128xf32>
    %max3A_171 = arith.maximumf %add3A_164, %max3A_170 : vector<2048x128xf32>
    %add3A_172 = arith.addf %add3A_139, %max3A_171 : vector<2048x128xf32>
    %get3A_173 = arith.constant 0 : index
    %get3A_174 = arith.constant 0 : index
    %get3A_175 = vector.load %arg6[%get3A_173, %get3A_174] : memref<128x151xf32, #tpu.memory_space<vmem>>, vector<128x151xf32>
    %dot_general3A_176 = arith.constant dense<0.000000e+00> : vector<512x151xf32>
    %dot_general3A_177 = tpu.matmul %add3A_168, %get3A_175, %dot_general3A_176 {dimension_numbers = #tpu.dot_dimension_numbers<[1], [0], [0], [1], [0, 0, 1, 1], [], []>, transpose_lhs_hint = false} : vector<512x128xf32>, vector<128x151xf32>, vector<512x151xf32> -> vector<512x151xf32>
    %get3A_178 = arith.constant 0 : index
    %get3A_179 = arith.constant 0 : index
    %get3A_180 = vector.load %arg7[%get3A_178, %get3A_179] : memref<1x151xf32, #tpu.memory_space<vmem>>, vector<1x151xf32>
    %add3A_181 = vector.broadcast %get3A_180 : vector<1x151xf32> to vector<512x151xf32>
    %add3A_182 = arith.addf %dot_general3A_177, %add3A_181 : vector<512x151xf32>
    %swap3A = arith.constant 0 : index
    %swap3A_183 = arith.constant 0 : index
    %swap3A_184 = vector.load %arg10[%swap3A, %swap3A_183] : memref<512x151xf32, #tpu.memory_space<vmem>>, vector<512x151xf32>
    tpu.vector_store %arg10[%swap3A, %swap3A_183], %add3A_182 {strides = array<i32>} : memref<512x151xf32, #tpu.memory_space<vmem>>, vector<512x151xf32>,
    %get3A_185 = arith.constant 0 : index
    %get3A_186 = arith.constant 0 : index
    %get3A_187 = vector.load %arg8[%get3A_185, %get3A_186] : memref<128x51xf32, #tpu.memory_space<vmem>>, vector<128x51xf32>
    %dot_general3A_188 = arith.constant dense<0.000000e+00> : vector<2048x51xf32>
    %dot_general3A_189 = tpu.matmul %add3A_172, %get3A_187, %dot_general3A_188 {dimension_numbers = #tpu.dot_dimension_numbers<[1], [0], [0], [1], [0, 0, 1, 1], [], []>, transpose_lhs_hint = false} : vector<2048x128xf32>, vector<128x51xf32>, vector<2048x51xf32> -> vector<2048x51xf32>
    %get3A_190 = arith.constant 0 : index
    %get3A_191 = arith.constant 0 : index
    %get3A_192 = vector.load %arg9[%get3A_190, %get3A_191] : memref<1x51xf32, #tpu.memory_space<vmem>>, vector<1x51xf32>
    %add3A_193 = vector.broadcast %get3A_192 : vector<1x51xf32> to vector<2048x51xf32>
    %add3A_194 = arith.addf %dot_general3A_189, %add3A_193 : vector<2048x51xf32>
    %swap3A_195 = arith.constant 0 : index
    %swap3A_196 = arith.constant 0 : index
    %swap3A_197 = vector.load %arg11[%swap3A_195, %swap3A_196] : memref<2048x51xf32, #tpu.memory_space<vmem>>, vector<2048x51xf32>
    tpu.vector_store %arg11[%swap3A_195, %swap3A_196], %add3A_194 {strides = array<i32>} : memref<2048x51xf32, #tpu.memory_space<vmem>>, vector<2048x51xf32>,
    return
  }
}

</mosaic_0001>

<sc_bundles>
// kernel: sparse-core-data-format-call.cloned.1.call-start
scs
called_computation_lowered:
.L_overlay_start_0:
0x0: {  	s1 =	sld [smem:$0x3FD9]  }
0x1: {  	s2 =	sld [smem:$0x3FFE];
	_ =	sdelay $0x1  }
0x2: {  	s3 =	srdreg.scid  }
0x3: {  	s0 =	sand.u32 $0x1, s3  }
0x4: {  	s17 =	sshll.u32 s0, $0xA;
	s1 =	sadd.s32 s2, s1  }
0x5: {  	s1 =	sadd.s32 s1, s17  }
0x6: {  	[smem:$0x3FA7] =	sst s1  }
0x7: {  	_ = 	snop  }
0x8: {  	(tm) =	ssettm $0x1  }
0x9: {  	s18 =	sld [smem:$0x3FFB];
	_ =	sdelay $0x3  }
0xa: {  	_ =	strace s18  }
0xb: {  	s1 =	sld [smem:$0x3FFC];
	_ =	sdelay $0x3  }
0xc: {  	_ =	strace s1  }
0xd: {  	s1 =	sld [smem:$0x3FFD];
	_ =	sdelay $0x3  }
0xe: {  	_ =	strace s1  }
0xf: {  	_ =	strace $0x8FFFFFFF  }
0x10: {  	s19 =	sld [smem:$0x3FDB];
	_ =	sdelay $0x1  }
0x11: {  	s20 =	simm.s32 $_scs_section_size  }
0x12: {  	s4 =	simm.s32 $_size__tile_overlayer_lowered;
	s5 =	simm.s32 $_tile_overlayer_lowered  }
0x13: {  	s23 =	simm.s32 $0x1BFF;
	s22 =	sshll.u32 s5, $0x1;
	s1 =	sadd.s32 s20, s19  }
0x14: {  	s6 =	simm.s32 $0x0;
	s21 =	sshll.u32 s4, $0x1;
	s4 =	sadd.s32 s22, s1  }
0x15: {  	[timem:s6], [sflag:s23] =	dma.local [hbm:s4], s21  }
0x16: {  	_ =	swait.ge [sflag:s23], s21  }
0x17: {  	s2 =	ssub.s32 $0x0, s21;
	[sflag:s23] =	ssyncset.done $0x0  }
0x18: {  	[sflag:s23] =	ssyncadd.s32 s2;
	_ =	sdelay $0x1  }
0x19: {  	s24 =	simm.s32 $0x1B8B  }
0x1a: {  	_ =	swait.ge [sflag:s24], $0x1  }
0x1b: {  	[sflag:s24] =	ssyncset.done $0x0  }
0x1c: {  	s26 =	simm.s32 $0x1B8E;
	s25 =	sld [smem:$0x3FFE];
	[sflag:s24] =	ssyncadd.s32 $0xFFFFFFFF  }
0x1d: {  	s27 =	simm.s32 $execute0_lowered;
	[smem:$0x3FD2] =	sst s26  }
0x1e: {  	s4 =	sshll.u32 s27, $0x1;
	_ =	strace $0x80000046;
	[dreg:$0x1] =	wrdreg $0xFFFFFFFF  }
0x1f: {  	s28 =	simm.s32 $_size_execute0_lowered;
	s1 =	sadd.s32 s1, s4;
	[dreg:$0x0] =	wrdreg $0x0  }
0x20: {  	s4 =	sshll.u32 s28, $0x1;
	[dreg:$0x2] =	wrdreg s1  }
0x21: {  	[dreg:$0x3] =	wrdreg s4  }
0x22: {  	[dreg:$0x4] =	wrdreg $0xC0  }
0x23: {  	_ =	task [dreg:s6], $0x5FFFF  }
0x24: {  	[dreg:$0x1] =	wrdreg $0xFFFFFFFF  }
0x25: {  	[dreg:$0x0] =	wrdreg $0x60  }
0x26: {  	[dreg:$0x2] =	wrdreg s25  }
0x27: {  	[dreg:$0x3] =	wrdreg $0x9  }
0x28: {  	_ =	task.clear_ibuf [dreg:s6], $0x4FFFF;
	_ =	strace $0x90000046  }
0x29: {  	s29 =	simm.s32 $0x9;
	_ =	strace $0x80000048  }
0x2a: {  	_ =	swait.ge [sflag:s29], $0x1  }
0x2b: {  	[sflag:s29] =	ssyncadd.s32 $0xFFFFFFFF  }
0x2c: {  	_ =	strace $0x90000048  }
0x2d: {  	_ =	sfence  }
0x2e: {  	s30 =	sld [smem:$0x0];
	_ =	sdelay $0x2  }
0x2f: {  	s31 =	sshll.u32 s3, $0xD;
	s3 =	sshrl.u32 s3, $0x2  }
0x30: {  	s2 =	sand.u32 $0x4000, s31;
	s1 =	sadd.s32 s3, s30  }
0x31: {  	s0 =	sor.u32 s2, s0;
	s1 =	sshll.u32 s1, $0x11  }
0x32: {  	s0 =	sor.u32 s1, s0  }
0x33: {  	s0 =	sadd.s32 $0x8F2B, s0  }
0x34: {  	[sflag:s0] =	ssyncadd.remote.s32 $0x1  }
0x35: {  	_ =	sfence.sel $0xFFFF  }
0x36: {  	[dreg:$0x0] =	wrdreg $0xFFFFFFFF;
	(pc) =	sbr.abs _section_cstart, $3  }
0x37: {  	[dreg:$0x1] =	wrdreg $0xFFFFFFFF  }
0x38: {  	_ =	task.clear_ibuf [dreg:s6], $0x2FFFF;
	_ =	strace $0x9FFFFFFF  }
0x39: {  	(tm) =	ssettm $0x7FFFFFFF  }
tec
execute0_lowered:
.L_overlay_start_1:
0x0: {  	(tag) =	ssettag $0x1  }
0x1: {  	s0 =	srdreg.scid  }
0x2: {  	s1 =	sshll.u32 s0, $0x4  }
0x3: {  	s0 =	stileid.u32;
	s1 =	sand.u32 $0x10, s1  }
0x4: {  	s1 =	sor.u32 s0, s1  }
0x5: {  	s6 =	rddreg [dreg:$0x0];
	s7 =	simm.s32 $0x2;
	s2 =	sshll.u32 s1, $0x4  }
0x6: {  	s13 =	simm.s32 $0x0;
	s8 =	simm.s32 $0x400;
	s1 =	ssub.s32 $0x800, s2  }
0x7: {  	s9 =	simm.s32 $0x1C00;
	s14 =	simm.s32 $0x0;
	s3 =	sand.u32 $0x1F0, s1  }
0x8: {  	s11 =	simm.s32 $0x0;
	p0 =	sne.s32 s3, $0x0;
	s3 =	simm.s32 $0x1  }
.Ltmp0:
0x9: {  	s4 =	sshrl.u32 s1, $0x9;
	s3 =	simm.s32 @!p0 $0x0;
	(pc) =	sbr.rel .LBB1_1-.Ltmp0, $4  }
0xa: {  	s12 =	simm.s32 $0x0;
	s1 =	rddreg [dreg:$0x1];
	s4 =	sadd.s32 s3, s4  }
0xb: {  	_ =	strace $0x80000047;
	s3 =	simm.s32 $0x1;
	s4 =	smul.u32 $0x7, s4  }
0xc: {  	s5 =	sadd.s32 $0x4E00, s6;
	s6 =	sadd.s32 $0x18CE00, s6;
	[sflag:s3] =	ssyncpa.u1 $0x0  }
0xd: {  	s10 =	smov.u32 s2;
	[sflag:s7] =	ssyncpa.u1 $0x0;
	s7 =	sadd.s32 $0x1, s4  }
.LBB1_9:
0xe: {  	s15 =	sadd.s32 $0x200, s10  }
0xf: {  	s13 =	sadd.s32 $0x8, s11;
	s17 =	smov.u32 s11;
	p1 =	sgt.s32 s15, $0x7FF  }
0x10: {  	s17 =	smov.u32 @p1 s13  }
0x11: {  	s15 =	smov.u32 @p1 s2;
	p1 =	sgt.s32 s17, $0x30  }
0x12: {  	s17 =	simm.s32 @p1 $0x0;
	p1 =	sne.s32 s12, s7  }
.Ltmp1:
0x13: {  	p0 =	slt.u32 s12, $0x2;
	(pc) =	sbr.rel @!p1 .LBB1_10-.Ltmp1, $4  }
0x14: {  	s16 =	simm.s32 @!p0 $0x2  }
0x15: {  	s14 =	smov.u32 s11;
	_ =	swait.ge @!p0 [sflag:s16], $0x4000  }
0x16: {  	s13 =	smov.u32 s10;
	[sflag:s16] =	ssyncset.done @!p0 $0x0;
	s10 =	smov.u32 s15  }
0x17: {  	s12 =	sadd.s32 $0x1, s12;
	[sflag:s16] =	ssyncadd.s32 @!p0 $0xFFFFC000;
	s11 =	smov.u32 s17  }
.LBB1_1:
0x18: {  	p0 =	sge.u32 s12, s4  }
0x19: {  	s16 =	smov.u32 s11;
	s18 =	smov.u32 s10;
	p1 =	sgt.s32 @!p0 s11, $0x29  }
0x1a: {  	s31 =	sadd.s32 $0xFFFFFFFF, s12;
	s15 =	sshll.u32 @!p0 s10, $0x8;
	p1 =	por !p1, p0  }
0x1b: {  	s17 =	sshra.s32 @!p0 s11, $0x1F;
	s16 =	simm.s32 @p1 $0x29;
	p1 =	sgt.s32 @!p0 s10, $0x7F0  }
0x1c: {  	s19 =	sshra.s32 @!p0 s10, $0x1F;
	s17 =	sand.u32 @!p0 s17, s11;
	p1 =	por !p1, p0  }
0x1d: {  	s16 =	ssub.s32 @!p0 s16, s17;
	s17 =	sand.u32 @!p0 s19, s10;
	s18 =	simm.s32 @p1 $0x7F0  }
0x1e: {  	s15 =	sand.u32 @!p0 $0x7F800, s15;
	s16 =	sadd.s32 @!p0 $0xFFFFFFD7, s16;
	s17 =	ssub.s32 @!p0 s18, s17  }
0x1f: {  	s18 =	sshll.u32 @!p0 s10, $0x7;
	p1 =	sgt.s32 @!p0 s16, $0x7;
	s19 =	sadd.s32 @!p0 $0xFFFFF810, s17  }
0x20: {  	s16 =	sshll.u32 @!p0 s16, $0x7;
	s17 =	ssub.s32 @!p0 $0x800, s17;
	p2 =	sgt.s32 @!p0 s19, $0xF  }
0x21: {  	s16 =	ssub.s32 @!p0 $0x400, s16;
	p1 =	por !p1, p0;
	p2 =	por !p2, p0  }
0x22: {  	s18 =	sand.u32 @!p0 $0x300, s18;
	s16 =	simm.s32 @!p1 $0x0;
	s17 =	simm.s32 @!p2 $0x0  }
0x23: {  	s15 =	sor.u32 @!p0 s18, s15;
	s16 =	smul.u32 @!p0 s17, s16;
	s17 =	sshll.u32 @!p0 s11, $0xF  }
0x24: {  	s18 =	sxor.u32 @!p0 $0xFFFFFFFF, s12;
	s15 =	sshrl.u32 @!p0 s15, $0x4;
	s17 =	sadd.s32 @!p0 s5, s17  }
0x25: {  	s19 =	simm.s32 @!p0 $0x40000;
	s15 =	sadd.s32 @!p0 s15, s17;
	s17 =	sshll.u32 @!p0 s18, $0xE  }
0x26: {  	s16 =	sand.u32 @!p0 $0x3FFFFF80, s16;
	s18 =	simm.s32 @!p0 $0x800;
	s17 =	sand.u32 @!p0 $0x4000, s17  }
0x27: {  	[tilespmem:s17], [sflag:$0x1] =	stream.strided.gather @!p0 [hbm4b:s15+s18], s16, s19, s18, $0x38;
	[tilespmem:$0x10000] =	vst v63  }
0x28: {  	p0 =	sge.u32 s31, s4  }
.Ltmp2:
0x29: {  	_ = 	snop;
	(pc) =	sbr.rel @p0 .LBB1_9-.Ltmp2, $1  }
0x2a: {  	_ =	sdelay $0x3  }
0x2b: {  	p0 =	sgt.s32 s14, $0x29;
	s15 =	smov.u32 s14  }
0x2c: {  	s16 =	sshra.s32 s14, $0x1F;
	s17 =	smov.u32 s13;
	s18 =	sshra.s32 s13, $0x1F  }
0x2d: {  	s15 =	simm.s32 @!p0 $0x29;
	s16 =	sand.u32 s16, s14;
	p0 =	sgt.s32 s13, $0x7F0  }
0x2e: {  	s30 =	sand.u32 s18, s13;
	s15 =	ssub.s32 s15, s16;
	s17 =	simm.s32 @!p0 $0x7F0  }
0x2f: {  	s15 =	sadd.s32 $0xFFFFFFD7, s15;
	s16 =	ssub.s32 s17, s30  }
0x30: {  	p0 =	sgt.s32 s15, $0x7;
	s17 =	sadd.s32 $0xFFFFF810, s16;
	s15 =	sshll.u32 s15, $0x7  }
0x31: {  	s16 =	ssub.s32 $0x800, s16;
	p1 =	sgt.s32 s17, $0xF;
	s15 =	ssub.s32 $0x400, s15  }
0x32: {  	s16 =	simm.s32 @p1 $0x0;
	s15 =	simm.s32 @p0 $0x0  }
0x33: {  	s15 =	smul.u32 s16, s15;
	_ =	sdelay $0x1  }
0x34: {  	s15 =	sand.u32 $0x3FFFFF80, s15  }
0x35: {  	s31 =	sshll.u32 s12, $0xE;
	_ =	swait.ge [sflag:s3], s15  }
0x36: {  	s16 =	sand.u32 $0x4000, s31;
	s15 =	ssub.s32 $0x0, s15;
	[sflag:s3] =	ssyncset.done $0x0  }
0x37: {  	s17 =	simm.s32 $0x0;
	[sflag:s3] =	ssyncadd.s32 s15;
	s15 =	sor.u32 $0x8000, s16  }
.LBB1_3:
0x38: {  	s18 =	sshll.u32 s17, $0xB  }
0x39: {  	s18 =	sand.u32 $0x3FFFF800, s18  }
0x3a: {  	s19 =	sadd.s32 s18, s16  }
0x3b: {  	s20 =	sadd.s32 $0x800, s19;
	v0 =	vmov s19  }
0x3c: {  	v1 =	vmov s20  }
0x3d: {  	s18 =	sshll.u32 s17, $0x7;
	s19 =	simm.s32 $0x0  }
.LBB1_4:
0x3e: {  	s20 =	sshll.u32 s19, $0xA  }
0x3f: {  	s20 =	sand.u32 $0x3FFFFC00, s20  }
0x40: {  	s21 =	sshll.u32 s19, $0x8;
	s22 =	sshll.u32 s19, $0x7;
	s23 =	sadd.s32 s20, s15  }
0x41: {  	s29 =	sand.u32 $0x800, s21;
	s30 =	sand.u32 $0x300, s22;
	s31 =	sadd.s32 $0x400, s23  }
0x42: {  	p0 =	por $0x1, $0x1;
	s21 =	simm.s32 $0x0;
	s20 =	sor.u32 s30, s29;
	v2 =	vmov s23;
	v3 =	vmov s31  }
.LBB1_5:
0x43: {  	s22 =	sor.u32 s21, s20  }
0x44: {  	s22 =	sshrl.u32 s22, $0x1  }
0x45: {  	v4 =	vld.idx.msk [tilespmem:v0+s22+$0x0 ss:$0x1], $0xffff  }
0x46: {  	v5 =	vld.idx.msk [tilespmem:v1+s22+$0x0 ss:$0x1], $0xffff  }
0x47: {  	v6 =	vld.idx.msk [tilespmem:v0+s22+$0x10 ss:$0x1], $0xffff  }
0x48: {  	v7 =	vld.idx.msk [tilespmem:v1+s22+$0x10 ss:$0x1], $0xffff  }
0x49: {  	v8 =	vld.idx.msk [tilespmem:v0+s22+$0x20 ss:$0x1], $0xffff  }
0x4a: {  	v9 =	vld.idx.msk [tilespmem:v1+s22+$0x20 ss:$0x1], $0xffff  }
0x4b: {  	s31 =	sadd.s32 s18, s21;
	v12 =	vld.idx.msk [tilespmem:v0+s22+$0x30 ss:$0x1], $0xffff;
	v10 =	vunpack.i.l.s16.s32 v4;
	v11 =	vunpack.i.l.s16.s32 v5  }
0x4c: {  	s21 =	sshra.s32 s31, $0x1;
	v45 =	vld.idx.msk [tilespmem:v1+s22+$0x30 ss:$0x1], $0xffff;
	v4 =	vunpack.i.u.s16.s32 v4;
	v5 =	vunpack.i.u.s16.s32 v5;
	v10 =	vpack.i.b32.b16 v11, v10  }
0x4d: {  	v13 =	vld.idx.msk [tilespmem:v0+s22+$0x40 ss:$0x1], $0xffff;
	v46 =	vunpack.i.l.s16.s32 v7;
	v4 =	vpack.i.b32.b16 v5, v4;
	v5 =	vunpack.i.l.s16.s32 v6;
	[tilespmem:v2+s21+$0x0 ss:$0x1] =	vst.idx.msk $0xffff, v10  }
0x4e: {  	v48 =	vld.idx.msk [tilespmem:v1+s22+$0x40 ss:$0x1], $0xffff;
	v47 =	vunpack.i.u.s16.s32 v7;
	v5 =	vpack.i.b32.b16 v46, v5;
	[tilespmem:v3+s21+$0x0 ss:$0x1] =	vst.idx.msk $0xffff, v4;
	v4 =	vunpack.i.u.s16.s32 v6  }
0x4f: {  	v50 =	vld.idx.msk [tilespmem:v0+s22+$0x50 ss:$0x1], $0xffff;
	v49 =	vunpack.i.l.s16.s32 v9;
	[tilespmem:v2+s21+$0x10 ss:$0x1] =	vst.idx.msk $0xffff, v5;
	v5 =	vunpack.i.l.s16.s32 v8;
	v4 =	vpack.i.b32.b16 v47, v4  }
0x50: {  	v52 =	vld.idx.msk [tilespmem:v1+s22+$0x50 ss:$0x1], $0xffff;
	v51 =	vunpack.i.u.s16.s32 v9;
	v5 =	vpack.i.b32.b16 v49, v5;
	[tilespmem:v3+s21+$0x10 ss:$0x1] =	vst.idx.msk $0xffff, v4;
	v4 =	vunpack.i.u.s16.s32 v8  }
0x51: {  	v54 =	vld.idx.msk [tilespmem:v0+s22+$0x60 ss:$0x1], $0xffff;
	v53 =	vunpack.i.l.s16.s32 v45;
	[tilespmem:v2+s21+$0x20 ss:$0x1] =	vst.idx.msk $0xffff, v5;
	v5 =	vunpack.i.l.s16.s32 v12;
	v4 =	vpack.i.b32.b16 v51, v4  }
0x52: {  	v55 =	vld.idx.msk [tilespmem:v1+s22+$0x60 ss:$0x1], $0xffff;
	v11 =	vunpack.i.u.s16.s32 v45;
	v5 =	vpack.i.b32.b16 v53, v5;
	[tilespmem:v3+s21+$0x20 ss:$0x1] =	vst.idx.msk $0xffff, v4;
	v4 =	vunpack.i.u.s16.s32 v12  }
0x53: {  	v57 =	vld.idx.msk [tilespmem:v0+s22+$0x70 ss:$0x1], $0xffff;
	v56 =	vunpack.i.l.s16.s32 v48;
	[tilespmem:v2+s21+$0x30 ss:$0x1] =	vst.idx.msk $0xffff, v5;
	v5 =	vunpack.i.l.s16.s32 v13;
	v4 =	vpack.i.b32.b16 v11, v4  }
0x54: {  	v58 =	vld.idx.msk [tilespmem:v1+s22+$0x70 ss:$0x1], $0xffff;
	v7 =	vunpack.i.u.s16.s32 v48;
	v5 =	vpack.i.b32.b16 v56, v5;
	[tilespmem:v3+s21+$0x30 ss:$0x1] =	vst.idx.msk $0xffff, v4;
	v4 =	vunpack.i.u.s16.s32 v13  }
0x55: {  	v59 =	vunpack.i.l.s16.s32 v52;
	[tilespmem:v2+s21+$0x40 ss:$0x1] =	vst.idx.msk $0xffff, v5;
	v5 =	vunpack.i.l.s16.s32 v50;
	v4 =	vpack.i.b32.b16 v7, v4  }
0x56: {  	v6 =	vunpack.i.u.s16.s32 v52;
	[tilespmem:v3+s21+$0x40 ss:$0x1] =	vst.idx.msk $0xffff, v4;
	v4 =	vpack.i.b32.b16 v59, v5;
	v5 =	vunpack.i.u.s16.s32 v50  }
0x57: {  	p1 =	por p0, p0;
	v60 =	vunpack.i.l.s16.s32 v55;
	[tilespmem:v2+s21+$0x50 ss:$0x1] =	vst.idx.msk $0xffff, v4;
	v4 =	vpack.i.b32.b16 v6, v5;
	v5 =	vunpack.i.l.s16.s32 v54  }
.Ltmp3:
0x58: {  	v61 =	vunpack.i.u.s16.s32 v55;
	[tilespmem:v3+s21+$0x50 ss:$0x1] =	vst.idx.msk $0xffff, v4;
	v4 =	vpack.i.b32.b16 v60, v5;
	v5 =	vunpack.i.u.s16.s32 v54;
	(pc) =	sbr.rel @p1 .LBB1_5-.Ltmp3, $4  }
0x59: {  	v62 =	vunpack.i.l.s16.s32 v58;
	[tilespmem:v2+s21+$0x60 ss:$0x1] =	vst.idx.msk $0xffff, v4;
	v4 =	vpack.i.b32.b16 v61, v5;
	v5 =	vunpack.i.l.s16.s32 v57  }
0x5a: {  	v63 =	vunpack.i.u.s16.s32 v58;
	[tilespmem:v3+s21+$0x60 ss:$0x1] =	vst.idx.msk $0xffff, v4;
	v4 =	vunpack.i.u.s16.s32 v57;
	v5 =	vpack.i.b32.b16 v62, v5  }
0x5b: {  	[tilespmem:v2+s21+$0x70 ss:$0x1] =	vst.idx.msk $0xffff, v5;
	v4 =	vpack.i.b32.b16 v63, v4  }
0x5c: {  	p0 =	por $0x0, $0x0;
	[tilespmem:v3+s21+$0x70 ss:$0x1] =	vst.idx.msk $0xffff, v4;
	s21 =	simm.s32 $0x400  }
0x5d: {  	p0 =	slt.u32 s19, $0xE  }
.Ltmp4:
0x5e: {  	_ = 	snop;
	(pc) =	sbr.rel @p0 .LBB1_4-.Ltmp4, $3  }
0x5f: {  	_ =	sdelay $0x1  }
0x60: {  	s20 =	sadd.s32 $0x2, s19  }
0x61: {  	s19 =	smov.u32 s20  }
0x62: {  	p0 =	slt.u32 s17, $0x6  }
.Ltmp5:
0x63: {  	_ = 	snop;
	(pc) =	sbr.rel @p0 .LBB1_3-.Ltmp5, $3  }
0x64: {  	_ =	sdelay $0x1  }
0x65: {  	s18 =	sadd.s32 $0x2, s17  }
0x66: {  	s17 =	smov.u32 s18  }
0x67: {  	s16 =	sshll.u32 s14, $0x8;
	s30 =	sshll.u32 s14, $0x7  }
0x68: {  	s16 =	sand.u32 $0xFFFFF800, s16;
	s14 =	sand.u32 $0x300, s30  }
0x69: {  	s14 =	sor.u32 s14, s16  }
0x6a: {  	s14 =	sshrl.u32 s14, $0x8  }
0x6b: {  	s31 =	smulhi.u32 $0x4924925, s14  }
0x6c: {  	s13 =	smul.u32 $0x380, s13  }
0x6d: {  	s16 =	smul.u32 $0x38, s31  }
.Ltmp6:
0x6e: {  	_ = 	snop;
	(pc) =	sbr.rel .LBB1_9-.Ltmp6, $4  }
0x6f: {  	s14 =	ssub.s32 s14, s16  }
0x70: {  	s13 =	sadd.s32 s6, s13;
	s14 =	sshll.u32 s14, $0x4  }
0x71: {  	s13 =	sadd.s32 s14, s13  }
0x72: {  	[hbm4b:s13+s8] =	stream.strided.scatter [tilespmem:s15], [sflag:$0x2], $0x4000, s9, s8, $0x38;
	[tilespmem:$0x10000] =	vst v63  }
.LBB1_10:
0x73: {  	_ =	sfence.sel $0x180000  }
0x74: {  	s2 =	simm.s32 $0x1;
	[bflag:$0x0] =	sbarrier.arrive $0xFFFF  }
0x75: {  	s31 =	simm.s32 $0x2;
	[sflag:s2] =	ssyncpa.u1 $0x1  }
0x76: {  	[sflag:s31] =	ssyncpa.u1 $0x1  }
0x77: {  	p0 =	sne.s32 s0, $0x0;
	_ =	strace $0x90000047  }
0x78: {  	s0 =	sadd.s32 @!p0 $0x100000, s1;
	[bflag:$0x2] =	sbarrier.arrive $0xFFFF  }
0x79: {  	[sflag:s0] =	ssyncadd.tile.s32 @!p0 $0x1;
	_ =	shalt  }
.Lfunc_end1:
_tile_overlayer_lowered:
.L_overlay_start_2:
0x7a: {  	(tag) =	ssettag $0x2  }
0x7b: {  	s0 =	rddreg [dreg:$0x0];
	s2 =	stileid.u32  }
0x7c: {  	s1 =	rddreg [dreg:$0x1];
	p0 =	sne.s32 s2, $0x0  }
0x7d: {  	s3 =	rddreg [dreg:$0x2];
	[bflag:$0x3] =	sbarrier.arrive $0xFFFF;
	s2 =	simm.s32 @!p0 $0x1C01  }
0x7e: {  	[timem:s3], [sflag:s2] =	dma.local @!p0 [hbm:s0], s1  }
0x7f: {  	s0 =	simm.s32 @!p0 $0x1  }
0x80: {  	_ =	swait.ge @!p0 [sflag:s0], s1  }
0x81: {  	s1 =	ssub.s32 @!p0 $0x0, s1;
	[sflag:s0] =	ssyncset.done @!p0 $0x0  }
0x82: {  	[sflag:s0] =	ssyncadd.s32 @!p0 s1  }
0x83: {  	[bflag:$0x3] =	sbarrier.arrive $0xFFFF  }
0x84: {  	_ =	shalt  }

</sc_bundles>
